<compile_context>
chip_gen: v7x
topology: tpu7x:2x2x1
jax: 0.10.2.dev20260603
libtpu: 0.0.44.dev20260713+nightly
codegen_flags: <defaults>
</compile_context>

<pallas_src>
import functools

import jax
import jax.numpy as jnp
from jax import lax
from jax.experimental import pallas as pl
from jax.experimental.pallas import tpu as pltpu
from jax.experimental.pallas import tpu_sc as plsc

NUM_WORKERS = 32
CHUNK = 64


@functools.lru_cache(maxsize=None)
def _embed_call(batch, seq, D):
    B = batch * seq
    b_per_w = B // NUM_WORKERS
    w_per_row = seq // b_per_w
    n_chunks = b_per_w // CHUNK
    mesh = plsc.VectorSubcoreMesh(core_axis_name="c", subcore_axis_name="s")

    @functools.partial(
        pl.kernel,
        mesh=mesh,
        out_type=jax.ShapeDtypeStruct((batch, seq, D), jnp.float32),
        scratch_types=[
            pltpu.VMEM((b_per_w,), jnp.int32),
            pltpu.VMEM((CHUNK, D), jnp.float32),
            pltpu.VMEM((CHUNK, D), jnp.float32),
            pltpu.SemaphoreType.DMA,
            pltpu.SemaphoreType.DMA,
            pltpu.SemaphoreType.DMA,
            pltpu.SemaphoreType.DMA,
        ],
    )
    def k(tokens_hbm, table_hbm, out_hbm, idx_v, rows0, rows1, gs0, gs1, os0, os1):
        wid = lax.axis_index("s") * 2 + lax.axis_index("c")
        r = wid // w_per_row
        cs = (wid % w_per_row) * b_per_w
        pltpu.sync_copy(tokens_hbm.at[r, pl.ds(cs, b_per_w)], idx_v)
        rows = [rows0, rows1]
        gsem = [gs0, gs1]
        osem = [os0, os1]
        gather = [None] * n_chunks
        out = [None] * n_chunks
        gather[0] = pltpu.async_copy(
            table_hbm.at[idx_v.at[pl.ds(0, CHUNK)]], rows[0], gsem[0])
        for c in range(n_chunks):
            b = c % 2
            if c + 1 < n_chunks:
                nb = (c + 1) % 2
                if c >= 1:
                    out[c - 1].wait()
                gather[c + 1] = pltpu.async_copy(
                    table_hbm.at[idx_v.at[pl.ds((c + 1) * CHUNK, CHUNK)]],
                    rows[nb], gsem[nb])
            gather[c].wait()
            out[c] = pltpu.async_copy(
                rows[b], out_hbm.at[r, pl.ds(cs + c * CHUNK, CHUNK)], osem[b])
        out[n_chunks - 1].wait()
        if n_chunks >= 2:
            out[n_chunks - 2].wait()

    return k


def kernel(tokens, W_E):
    batch, seq = tokens.shape
    d_model = W_E.shape[1]
    return _embed_call(batch, seq, d_model)(tokens.astype(jnp.int32), W_E)

# --- scband reference (transcript-rebuilt; emitter-appended) ---
"""Pipeline reference for scband-embed-4011499454733 (READ-ONLY COPY).

The authoritative reference and input builder live on the scoring server;
editing this copy changes nothing except your own understanding.
"""

import jax, jax.numpy as jnp
import numpy as np

D_VOCAB = 100000
D_MODEL = 768
INIT_RANGE = 0.02
BATCH = 4
SEQ = 4096

def setup_inputs(seed: int = 0) -> dict:
    key = jax.random.key(seed)
    k_tok, k_w = jax.random.split(key)
    tokens = jax.random.randint(k_tok, (BATCH, SEQ), 0, D_VOCAB, dtype=jnp.int64 if jax.config.jax_enable_x64 else jnp.int32)
    W_E = jax.random.normal(k_w, (D_VOCAB, D_MODEL), dtype=jnp.float32) * INIT_RANGE
    return {"tokens": tokens, "W_E": W_E}

def reference(tokens, W_E):
    # Embed.forward: return self.W_E[tokens]
    return jnp.take(W_E, tokens, axis=0)

if __name__ == "__main__":
    import jax
    _d = setup_inputs()
    print(jax.jit(kernel)(*tuple(_d.values())))

</pallas_src>

<mosaic_0001>
#map = affine_map<(d0, d1) -> (0, 0)>
#map1 = affine_map<(d0, d1) -> (0, 0, 0)>
module attributes {stable_mosaic.version = 14 : i64} {
  func.func @k(%arg0: i32, %arg1: i32, %arg2: memref<4x4096xi32, #tpu.memory_space<hbm>>, %arg3: memref<100000x768xf32, #tpu.memory_space<hbm>>, %arg4: memref<4x4096x768xf32, #tpu.memory_space<hbm>>, %arg5: memref<512xi32, #tpu.memory_space<vmem>>, %arg6: memref<64x768xf32, #tpu.memory_space<vmem>>, %arg7: memref<64x768xf32, #tpu.memory_space<vmem>>, %arg8: memref<!tpu.dma_semaphore, #tpu.memory_space<semaphore_mem>>, %arg9: memref<!tpu.dma_semaphore, #tpu.memory_space<semaphore_mem>>, %arg10: memref<!tpu.dma_semaphore, #tpu.memory_space<semaphore_mem>>, %arg11: memref<!tpu.dma_semaphore, #tpu.memory_space<semaphore_mem>>) attributes {dimension_semantics = [#tpu.dimension_semantics<core_parallel>, #tpu.dimension_semantics<subcore_parallel>], iteration_bounds = array<i64: 2, 16>, scalar_prefetch = 0 : i64, scratch_operands = 7 : i64, tpu.core_type = #tpu.core_type<sc_vector_subcore>, window_params = [{transform_indices = #map}, {transform_indices = #map}, {transform_indices = #map1}]} {
    %mul3A = arith.constant 2 : i32
    %mul3A_0 = arith.muli %arg1, %mul3A : i32
    %add3A = arith.addi %mul3A_0, %arg0 : i32
    %jit3A = arith.constant 8 : i32
    %div3A = arith.divsi %add3A, %jit3A : i32
    %sign3A = arith.constant 0 : i32
    %sign3A_1 = arith.cmpi sgt, %add3A, %sign3A : i32
    %sign3A_2 = arith.extui %sign3A_1 : i1 to i32
    %sign3A_3 = arith.constant 0 : i32
    %sign3A_4 = arith.cmpi slt, %add3A, %sign3A_3 : i32
    %sign3A_5 = arith.extui %sign3A_4 : i1 to i32
    %sign3A_6 = arith.subi %sign3A_2, %sign3A_5 : i32
    %sign3A_7 = arith.constant 0 : i32
    %sign3A_8 = arith.cmpi sgt, %jit3A, %sign3A_7 : i32
    %sign3A_9 = arith.extui %sign3A_8 : i1 to i32
    %sign3A_10 = arith.constant 0 : i32
    %sign3A_11 = arith.cmpi slt, %jit3A, %sign3A_10 : i32
    %sign3A_12 = arith.extui %sign3A_11 : i1 to i32
    %sign3A_13 = arith.subi %sign3A_9, %sign3A_12 : i32
    %ne3A = arith.cmpi ne, %sign3A_6, %sign3A_13 : i32
    %rem3A = arith.remsi %add3A, %jit3A : i32
    %ne3A_14 = arith.constant 0 : i32
    %ne3A_15 = arith.cmpi ne, %rem3A, %ne3A_14 : i32
    %and3A = arith.andi %ne3A, %ne3A_15 : i1
    %sub3A = arith.constant 1 : i32
    %sub3A_16 = arith.subi %div3A, %sub3A : i32
    %select_n3A = arith.select %and3A, %sub3A_16, %div3A : i32
    %jit3A_17 = arith.constant 8 : i32
    %eq3A = arith.constant 0 : i32
    %eq3A_18 = arith.cmpi eq, %jit3A_17, %eq3A : i32
    %jit3A_19 = arith.constant 1 : i32
    %select_n3A_20 = arith.select %eq3A_18, %jit3A_19, %jit3A_17 : i32
    %rem3A_21 = arith.remsi %add3A, %select_n3A_20 : i32
    %ne3A_22 = arith.constant 0 : i32
    %ne3A_23 = arith.cmpi ne, %rem3A_21, %ne3A_22 : i32
    %lt3A = arith.constant 0 : i32
    %lt3A_24 = arith.cmpi slt, %rem3A_21, %lt3A : i32
    %lt3A_25 = arith.constant 0 : i32
    %lt3A_26 = arith.cmpi slt, %select_n3A_20, %lt3A_25 : i32
    %ne3A_27 = arith.xori %lt3A_24, %lt3A_26 : i1
    %and3A_28 = arith.andi %ne3A_27, %ne3A_23 : i1
    %add3A_29 = arith.addi %rem3A_21, %select_n3A_20 : i32
    %select_n3A_30 = arith.select %and3A_28, %add3A_29, %rem3A_21 : i32
    %mul3A_31 = arith.constant 512 : i32
    %mul3A_32 = arith.muli %select_n3A_30, %mul3A_31 : i32
    "tpu.region"() ({
      %run_scoped3A = tpu.sem_alloc : memref<!tpu.dma_semaphore, #tpu.memory_space<semaphore_mem>>
      %dma_start3A_223 = tpu.memref_slice %arg2[%select_n3A, %mul3A_32] : memref<4x4096xi32, #tpu.memory_space<hbm>> -> memref<1x512xi32, #tpu.memory_space<hbm>>
      %dma_start3A_224 = tpu.memref_squeeze %dma_start3A_223 : memref<1x512xi32, #tpu.memory_space<hbm>> -> memref<512xi32, #tpu.memory_space<hbm>>
      %dma_start3A_225 = tpu.memref_slice %arg2[%select_n3A, %mul3A_32] : memref<4x4096xi32, #tpu.memory_space<hbm>> -> memref<1x512xi32, #tpu.memory_space<hbm>>
      %dma_start3A_226 = tpu.memref_squeeze %dma_start3A_225 : memref<1x512xi32, #tpu.memory_space<hbm>> -> memref<512xi32, #tpu.memory_space<hbm>>
      tpu.enqueue_dma source(%dma_start3A_226 : memref<512xi32, #tpu.memory_space<hbm>>) target(%arg5 : memref<512xi32, #tpu.memory_space<vmem>>) target_semaphore(%run_scoped3A : memref<!tpu.dma_semaphore, #tpu.memory_space<semaphore_mem>>)
      %dma_wait3A_227 = tpu.memref_slice %arg2[%select_n3A, %mul3A_32] : memref<4x4096xi32, #tpu.memory_space<hbm>> -> memref<1x512xi32, #tpu.memory_space<hbm>>
      %dma_wait3A_228 = tpu.memref_squeeze %dma_wait3A_227 : memref<1x512xi32, #tpu.memory_space<hbm>> -> memref<512xi32, #tpu.memory_space<hbm>>
      %dma_wait3A_229 = tpu.memref_slice %arg2[%select_n3A, %mul3A_32] : memref<4x4096xi32, #tpu.memory_space<hbm>> -> memref<1x512xi32, #tpu.memory_space<hbm>>
      %dma_wait3A_230 = tpu.memref_squeeze %dma_wait3A_229 : memref<1x512xi32, #tpu.memory_space<hbm>> -> memref<512xi32, #tpu.memory_space<hbm>>
      tpu.wait_dma2 semaphore(%run_scoped3A : memref<!tpu.dma_semaphore, #tpu.memory_space<semaphore_mem>>) src(%dma_wait3A_230 : memref<512xi32, #tpu.memory_space<hbm>>) dst(%arg5 : memref<512xi32, #tpu.memory_space<vmem>>)
      tpu.yield
    }) : () -> ()
    %dma_start3A = arith.constant 0 : i32
    %dma_start3A_33 = tpu.memref_slice %arg5[%dma_start3A] : memref<512xi32, #tpu.memory_space<vmem>> -> memref<64xi32, #tpu.memory_space<vmem>>
    %dma_start3A_34 = arith.constant 0 : i32
    %dma_start3A_35 = arith.constant 0 : i32
    %dma_start3A_36 = tpu.memref_slice %arg3[%dma_start3A_34, %dma_start3A_35] : memref<100000x768xf32, #tpu.memory_space<hbm>> -> memref<100000x768xf32, #tpu.memory_space<hbm>>
    tpu.enqueue_indirect_dma source(%dma_start3A_36 : memref<100000x768xf32, #tpu.memory_space<hbm>>) target(%arg6 : memref<64x768xf32, #tpu.memory_space<vmem>>) offsets(%dma_start3A_33 : memref<64xi32, #tpu.memory_space<vmem>>) semaphore(%arg8 : memref<!tpu.dma_semaphore, #tpu.memory_space<semaphore_mem>>)
    %dma_start3A_37 = arith.constant 64 : i32
    %dma_start3A_38 = tpu.memref_slice %arg5[%dma_start3A_37] : memref<512xi32, #tpu.memory_space<vmem>> -> memref<64xi32, #tpu.memory_space<vmem>>
    %dma_start3A_39 = arith.constant 0 : i32
    %dma_start3A_40 = arith.constant 0 : i32
    %dma_start3A_41 = tpu.memref_slice %arg3[%dma_start3A_39, %dma_start3A_40] : memref<100000x768xf32, #tpu.memory_space<hbm>> -> memref<100000x768xf32, #tpu.memory_space<hbm>>
    tpu.enqueue_indirect_dma source(%dma_start3A_41 : memref<100000x768xf32, #tpu.memory_space<hbm>>) target(%arg7 : memref<64x768xf32, #tpu.memory_space<vmem>>) offsets(%dma_start3A_38 : memref<64xi32, #tpu.memory_space<vmem>>) semaphore(%arg9 : memref<!tpu.dma_semaphore, #tpu.memory_space<semaphore_mem>>)
    %dma_wait3A = arith.constant 0 : i32
    %dma_wait3A_42 = tpu.memref_slice %arg5[%dma_wait3A] : memref<512xi32, #tpu.memory_space<vmem>> -> memref<64xi32, #tpu.memory_space<vmem>>
    %dma_wait3A_43 = arith.constant 0 : i32
    %dma_wait3A_44 = arith.constant 0 : i32
    %dma_wait3A_45 = tpu.memref_slice %arg3[%dma_wait3A_43, %dma_wait3A_44] : memref<100000x768xf32, #tpu.memory_space<hbm>> -> memref<100000x768xf32, #tpu.memory_space<hbm>>
    tpu.wait_indirect_dma semaphore(%arg8 : memref<!tpu.dma_semaphore, #tpu.memory_space<semaphore_mem>>) src(%dma_wait3A_45 : memref<100000x768xf32, #tpu.memory_space<hbm>>) dst(%arg6 : memref<64x768xf32, #tpu.memory_space<vmem>>)
    %add3A_46 = arith.constant 0 : i32
    %add3A_47 = arith.addi %mul3A_32, %add3A_46 : i32
    %dma_start3A_48 = arith.constant 0 : i32
    %dma_start3A_49 = tpu.memref_slice %arg4[%select_n3A, %add3A_47, %dma_start3A_48] : memref<4x4096x768xf32, #tpu.memory_space<hbm>> -> memref<1x64x768xf32, #tpu.memory_space<hbm>>
    %dma_start3A_50 = tpu.memref_squeeze %dma_start3A_49 : memref<1x64x768xf32, #tpu.memory_space<hbm>> -> memref<64x768xf32, #tpu.memory_space<hbm>>
    %dma_start3A_51 = arith.constant 0 : i32
    %dma_start3A_52 = tpu.memref_slice %arg4[%select_n3A, %add3A_47, %dma_start3A_51] : memref<4x4096x768xf32, #tpu.memory_space<hbm>> -> memref<1x64x768xf32, #tpu.memory_space<hbm>>
    %dma_start3A_53 = tpu.memref_squeeze %dma_start3A_52 : memref<1x64x768xf32, #tpu.memory_space<hbm>> -> memref<64x768xf32, #tpu.memory_space<hbm>>
    tpu.enqueue_dma source(%arg6 : memref<64x768xf32, #tpu.memory_space<vmem>>) target(%dma_start3A_53 : memref<64x768xf32, #tpu.memory_space<hbm>>) target_semaphore(%arg10 : memref<!tpu.dma_semaphore, #tpu.memory_space<semaphore_mem>>)
    %dma_wait3A_54 = arith.constant 0 : i32
    %dma_wait3A_55 = tpu.memref_slice %arg4[%select_n3A, %add3A_47, %dma_wait3A_54] : memref<4x4096x768xf32, #tpu.memory_space<hbm>> -> memref<1x64x768xf32, #tpu.memory_space<hbm>>
    %dma_wait3A_56 = tpu.memref_squeeze %dma_wait3A_55 : memref<1x64x768xf32, #tpu.memory_space<hbm>> -> memref<64x768xf32, #tpu.memory_space<hbm>>
    %dma_wait3A_57 = arith.constant 0 : i32
    %dma_wait3A_58 = tpu.memref_slice %arg4[%select_n3A, %add3A_47, %dma_wait3A_57] : memref<4x4096x768xf32, #tpu.memory_space<hbm>> -> memref<1x64x768xf32, #tpu.memory_space<hbm>>
    %dma_wait3A_59 = tpu.memref_squeeze %dma_wait3A_58 : memref<1x64x768xf32, #tpu.memory_space<hbm>> -> memref<64x768xf32, #tpu.memory_space<hbm>>
    tpu.wait_dma2 semaphore(%arg10 : memref<!tpu.dma_semaphore, #tpu.memory_space<semaphore_mem>>) src(%arg6 : memref<64x768xf32, #tpu.memory_space<vmem>>) dst(%dma_wait3A_59 : memref<64x768xf32, #tpu.memory_space<hbm>>)
    %dma_start3A_60 = arith.constant 128 : i32
    %dma_start3A_61 = tpu.memref_slice %arg5[%dma_start3A_60] : memref<512xi32, #tpu.memory_space<vmem>> -> memref<64xi32, #tpu.memory_space<vmem>>
    %dma_start3A_62 = arith.constant 0 : i32
    %dma_start3A_63 = arith.constant 0 : i32
    %dma_start3A_64 = tpu.memref_slice %arg3[%dma_start3A_62, %dma_start3A_63] : memref<100000x768xf32, #tpu.memory_space<hbm>> -> memref<100000x768xf32, #tpu.memory_space<hbm>>
    tpu.enqueue_indirect_dma source(%dma_start3A_64 : memref<100000x768xf32, #tpu.memory_space<hbm>>) target(%arg6 : memref<64x768xf32, #tpu.memory_space<vmem>>) offsets(%dma_start3A_61 : memref<64xi32, #tpu.memory_space<vmem>>) semaphore(%arg8 : memref<!tpu.dma_semaphore, #tpu.memory_space<semaphore_mem>>)
    %dma_wait3A_65 = arith.constant 64 : i32
    %dma_wait3A_66 = tpu.memref_slice %arg5[%dma_wait3A_65] : memref<512xi32, #tpu.memory_space<vmem>> -> memref<64xi32, #tpu.memory_space<vmem>>
    %dma_wait3A_67 = arith.constant 0 : i32
    %dma_wait3A_68 = arith.constant 0 : i32
    %dma_wait3A_69 = tpu.memref_slice %arg3[%dma_wait3A_67, %dma_wait3A_68] : memref<100000x768xf32, #tpu.memory_space<hbm>> -> memref<100000x768xf32, #tpu.memory_space<hbm>>
    tpu.wait_indirect_dma semaphore(%arg9 : memref<!tpu.dma_semaphore, #tpu.memory_space<semaphore_mem>>) src(%dma_wait3A_69 : memref<100000x768xf32, #tpu.memory_space<hbm>>) dst(%arg7 : memref<64x768xf32, #tpu.memory_space<vmem>>)
    %add3A_70 = arith.constant 64 : i32
    %add3A_71 = arith.addi %mul3A_32, %add3A_70 : i32
    %dma_start3A_72 = arith.constant 0 : i32
    %dma_start3A_73 = tpu.memref_slice %arg4[%select_n3A, %add3A_71, %dma_start3A_72] : memref<4x4096x768xf32, #tpu.memory_space<hbm>> -> memref<1x64x768xf32, #tpu.memory_space<hbm>>
    %dma_start3A_74 = tpu.memref_squeeze %dma_start3A_73 : memref<1x64x768xf32, #tpu.memory_space<hbm>> -> memref<64x768xf32, #tpu.memory_space<hbm>>
    %dma_start3A_75 = arith.constant 0 : i32
    %dma_start3A_76 = tpu.memref_slice %arg4[%select_n3A, %add3A_71, %dma_start3A_75] : memref<4x4096x768xf32, #tpu.memory_space<hbm>> -> memref<1x64x768xf32, #tpu.memory_space<hbm>>
    %dma_start3A_77 = tpu.memref_squeeze %dma_start3A_76 : memref<1x64x768xf32, #tpu.memory_space<hbm>> -> memref<64x768xf32, #tpu.memory_space<hbm>>
    tpu.enqueue_dma source(%arg7 : memref<64x768xf32, #tpu.memory_space<vmem>>) target(%dma_start3A_77 : memref<64x768xf32, #tpu.memory_space<hbm>>) target_semaphore(%arg11 : memref<!tpu.dma_semaphore, #tpu.memory_space<semaphore_mem>>)
    %dma_wait3A_78 = arith.constant 0 : i32
    %dma_wait3A_79 = tpu.memref_slice %arg4[%select_n3A, %add3A_71, %dma_wait3A_78] : memref<4x4096x768xf32, #tpu.memory_space<hbm>> -> memref<1x64x768xf32, #tpu.memory_space<hbm>>
    %dma_wait3A_80 = tpu.memref_squeeze %dma_wait3A_79 : memref<1x64x768xf32, #tpu.memory_space<hbm>> -> memref<64x768xf32, #tpu.memory_space<hbm>>
    %dma_wait3A_81 = arith.constant 0 : i32
    %dma_wait3A_82 = tpu.memref_slice %arg4[%select_n3A, %add3A_71, %dma_wait3A_81] : memref<4x4096x768xf32, #tpu.memory_space<hbm>> -> memref<1x64x768xf32, #tpu.memory_space<hbm>>
    %dma_wait3A_83 = tpu.memref_squeeze %dma_wait3A_82 : memref<1x64x768xf32, #tpu.memory_space<hbm>> -> memref<64x768xf32, #tpu.memory_space<hbm>>
    tpu.wait_dma2 semaphore(%arg11 : memref<!tpu.dma_semaphore, #tpu.memory_space<semaphore_mem>>) src(%arg7 : memref<64x768xf32, #tpu.memory_space<vmem>>) dst(%dma_wait3A_83 : memref<64x768xf32, #tpu.memory_space<hbm>>)
    %dma_start3A_84 = arith.constant 192 : i32
    %dma_start3A_85 = tpu.memref_slice %arg5[%dma_start3A_84] : memref<512xi32, #tpu.memory_space<vmem>> -> memref<64xi32, #tpu.memory_space<vmem>>
    %dma_start3A_86 = arith.constant 0 : i32
    %dma_start3A_87 = arith.constant 0 : i32
    %dma_start3A_88 = tpu.memref_slice %arg3[%dma_start3A_86, %dma_start3A_87] : memref<100000x768xf32, #tpu.memory_space<hbm>> -> memref<100000x768xf32, #tpu.memory_space<hbm>>
    tpu.enqueue_indirect_dma source(%dma_start3A_88 : memref<100000x768xf32, #tpu.memory_space<hbm>>) target(%arg7 : memref<64x768xf32, #tpu.memory_space<vmem>>) offsets(%dma_start3A_85 : memref<64xi32, #tpu.memory_space<vmem>>) semaphore(%arg9 : memref<!tpu.dma_semaphore, #tpu.memory_space<semaphore_mem>>)
    %dma_wait3A_89 = arith.constant 128 : i32
    %dma_wait3A_90 = tpu.memref_slice %arg5[%dma_wait3A_89] : memref<512xi32, #tpu.memory_space<vmem>> -> memref<64xi32, #tpu.memory_space<vmem>>
    %dma_wait3A_91 = arith.constant 0 : i32
    %dma_wait3A_92 = arith.constant 0 : i32
    %dma_wait3A_93 = tpu.memref_slice %arg3[%dma_wait3A_91, %dma_wait3A_92] : memref<100000x768xf32, #tpu.memory_space<hbm>> -> memref<100000x768xf32, #tpu.memory_space<hbm>>
    tpu.wait_indirect_dma semaphore(%arg8 : memref<!tpu.dma_semaphore, #tpu.memory_space<semaphore_mem>>) src(%dma_wait3A_93 : memref<100000x768xf32, #tpu.memory_space<hbm>>) dst(%arg6 : memref<64x768xf32, #tpu.memory_space<vmem>>)
    %add3A_94 = arith.constant 128 : i32
    %add3A_95 = arith.addi %mul3A_32, %add3A_94 : i32
    %dma_start3A_96 = arith.constant 0 : i32
    %dma_start3A_97 = tpu.memref_slice %arg4[%select_n3A, %add3A_95, %dma_start3A_96] : memref<4x4096x768xf32, #tpu.memory_space<hbm>> -> memref<1x64x768xf32, #tpu.memory_space<hbm>>
    %dma_start3A_98 = tpu.memref_squeeze %dma_start3A_97 : memref<1x64x768xf32, #tpu.memory_space<hbm>> -> memref<64x768xf32, #tpu.memory_space<hbm>>
    %dma_start3A_99 = arith.constant 0 : i32
    %dma_start3A_100 = tpu.memref_slice %arg4[%select_n3A, %add3A_95, %dma_start3A_99] : memref<4x4096x768xf32, #tpu.memory_space<hbm>> -> memref<1x64x768xf32, #tpu.memory_space<hbm>>
    %dma_start3A_101 = tpu.memref_squeeze %dma_start3A_100 : memref<1x64x768xf32, #tpu.memory_space<hbm>> -> memref<64x768xf32, #tpu.memory_space<hbm>>
    tpu.enqueue_dma source(%arg6 : memref<64x768xf32, #tpu.memory_space<vmem>>) target(%dma_start3A_101 : memref<64x768xf32, #tpu.memory_space<hbm>>) target_semaphore(%arg10 : memref<!tpu.dma_semaphore, #tpu.memory_space<semaphore_mem>>)
    %dma_wait3A_102 = arith.constant 0 : i32
    %dma_wait3A_103 = tpu.memref_slice %arg4[%select_n3A, %add3A_95, %dma_wait3A_102] : memref<4x4096x768xf32, #tpu.memory_space<hbm>> -> memref<1x64x768xf32, #tpu.memory_space<hbm>>
    %dma_wait3A_104 = tpu.memref_squeeze %dma_wait3A_103 : memref<1x64x768xf32, #tpu.memory_space<hbm>> -> memref<64x768xf32, #tpu.memory_space<hbm>>
    %dma_wait3A_105 = arith.constant 0 : i32
    %dma_wait3A_106 = tpu.memref_slice %arg4[%select_n3A, %add3A_95, %dma_wait3A_105] : memref<4x4096x768xf32, #tpu.memory_space<hbm>> -> memref<1x64x768xf32, #tpu.memory_space<hbm>>
    %dma_wait3A_107 = tpu.memref_squeeze %dma_wait3A_106 : memref<1x64x768xf32, #tpu.memory_space<hbm>> -> memref<64x768xf32, #tpu.memory_space<hbm>>
    tpu.wait_dma2 semaphore(%arg10 : memref<!tpu.dma_semaphore, #tpu.memory_space<semaphore_mem>>) src(%arg6 : memref<64x768xf32, #tpu.memory_space<vmem>>) dst(%dma_wait3A_107 : memref<64x768xf32, #tpu.memory_space<hbm>>)
    %dma_start3A_108 = arith.constant 256 : i32
    %dma_start3A_109 = tpu.memref_slice %arg5[%dma_start3A_108] : memref<512xi32, #tpu.memory_space<vmem>> -> memref<64xi32, #tpu.memory_space<vmem>>
    %dma_start3A_110 = arith.constant 0 : i32
    %dma_start3A_111 = arith.constant 0 : i32
    %dma_start3A_112 = tpu.memref_slice %arg3[%dma_start3A_110, %dma_start3A_111] : memref<100000x768xf32, #tpu.memory_space<hbm>> -> memref<100000x768xf32, #tpu.memory_space<hbm>>
    tpu.enqueue_indirect_dma source(%dma_start3A_112 : memref<100000x768xf32, #tpu.memory_space<hbm>>) target(%arg6 : memref<64x768xf32, #tpu.memory_space<vmem>>) offsets(%dma_start3A_109 : memref<64xi32, #tpu.memory_space<vmem>>) semaphore(%arg8 : memref<!tpu.dma_semaphore, #tpu.memory_space<semaphore_mem>>)
    %dma_wait3A_113 = arith.constant 192 : i32
    %dma_wait3A_114 = tpu.memref_slice %arg5[%dma_wait3A_113] : memref<512xi32, #tpu.memory_space<vmem>> -> memref<64xi32, #tpu.memory_space<vmem>>
    %dma_wait3A_115 = arith.constant 0 : i32
    %dma_wait3A_116 = arith.constant 0 : i32
    %dma_wait3A_117 = tpu.memref_slice %arg3[%dma_wait3A_115, %dma_wait3A_116] : memref<100000x768xf32, #tpu.memory_space<hbm>> -> memref<100000x768xf32, #tpu.memory_space<hbm>>
    tpu.wait_indirect_dma semaphore(%arg9 : memref<!tpu.dma_semaphore, #tpu.memory_space<semaphore_mem>>) src(%dma_wait3A_117 : memref<100000x768xf32, #tpu.memory_space<hbm>>) dst(%arg7 : memref<64x768xf32, #tpu.memory_space<vmem>>)
    %add3A_118 = arith.constant 192 : i32
    %add3A_119 = arith.addi %mul3A_32, %add3A_118 : i32
    %dma_start3A_120 = arith.constant 0 : i32
    %dma_start3A_121 = tpu.memref_slice %arg4[%select_n3A, %add3A_119, %dma_start3A_120] : memref<4x4096x768xf32, #tpu.memory_space<hbm>> -> memref<1x64x768xf32, #tpu.memory_space<hbm>>
    %dma_start3A_122 = tpu.memref_squeeze %dma_start3A_121 : memref<1x64x768xf32, #tpu.memory_space<hbm>> -> memref<64x768xf32, #tpu.memory_space<hbm>>
    %dma_start3A_123 = arith.constant 0 : i32
    %dma_start3A_124 = tpu.memref_slice %arg4[%select_n3A, %add3A_119, %dma_start3A_123] : memref<4x4096x768xf32, #tpu.memory_space<hbm>> -> memref<1x64x768xf32, #tpu.memory_space<hbm>>
    %dma_start3A_125 = tpu.memref_squeeze %dma_start3A_124 : memref<1x64x768xf32, #tpu.memory_space<hbm>> -> memref<64x768xf32, #tpu.memory_space<hbm>>
    tpu.enqueue_dma source(%arg7 : memref<64x768xf32, #tpu.memory_space<vmem>>) target(%dma_start3A_125 : memref<64x768xf32, #tpu.memory_space<hbm>>) target_semaphore(%arg11 : memref<!tpu.dma_semaphore, #tpu.memory_space<semaphore_mem>>)
    %dma_wait3A_126 = arith.constant 0 : i32
    %dma_wait3A_127 = tpu.memref_slice %arg4[%select_n3A, %add3A_119, %dma_wait3A_126] : memref<4x4096x768xf32, #tpu.memory_space<hbm>> -> memref<1x64x768xf32, #tpu.memory_space<hbm>>
    %dma_wait3A_128 = tpu.memref_squeeze %dma_wait3A_127 : memref<1x64x768xf32, #tpu.memory_space<hbm>> -> memref<64x768xf32, #tpu.memory_space<hbm>>
    %dma_wait3A_129 = arith.constant 0 : i32
    %dma_wait3A_130 = tpu.memref_slice %arg4[%select_n3A, %add3A_119, %dma_wait3A_129] : memref<4x4096x768xf32, #tpu.memory_space<hbm>> -> memref<1x64x768xf32, #tpu.memory_space<hbm>>
    %dma_wait3A_131 = tpu.memref_squeeze %dma_wait3A_130 : memref<1x64x768xf32, #tpu.memory_space<hbm>> -> memref<64x768xf32, #tpu.memory_space<hbm>>
    tpu.wait_dma2 semaphore(%arg11 : memref<!tpu.dma_semaphore, #tpu.memory_space<semaphore_mem>>) src(%arg7 : memref<64x768xf32, #tpu.memory_space<vmem>>) dst(%dma_wait3A_131 : memref<64x768xf32, #tpu.memory_space<hbm>>)
    %dma_start3A_132 = arith.constant 320 : i32
    %dma_start3A_133 = tpu.memref_slice %arg5[%dma_start3A_132] : memref<512xi32, #tpu.memory_space<vmem>> -> memref<64xi32, #tpu.memory_space<vmem>>
    %dma_start3A_134 = arith.constant 0 : i32
    %dma_start3A_135 = arith.constant 0 : i32
    %dma_start3A_136 = tpu.memref_slice %arg3[%dma_start3A_134, %dma_start3A_135] : memref<100000x768xf32, #tpu.memory_space<hbm>> -> memref<100000x768xf32, #tpu.memory_space<hbm>>
    tpu.enqueue_indirect_dma source(%dma_start3A_136 : memref<100000x768xf32, #tpu.memory_space<hbm>>) target(%arg7 : memref<64x768xf32, #tpu.memory_space<vmem>>) offsets(%dma_start3A_133 : memref<64xi32, #tpu.memory_space<vmem>>) semaphore(%arg9 : memref<!tpu.dma_semaphore, #tpu.memory_space<semaphore_mem>>)
    %dma_wait3A_137 = arith.constant 256 : i32
    %dma_wait3A_138 = tpu.memref_slice %arg5[%dma_wait3A_137] : memref<512xi32, #tpu.memory_space<vmem>> -> memref<64xi32, #tpu.memory_space<vmem>>
    %dma_wait3A_139 = arith.constant 0 : i32
    %dma_wait3A_140 = arith.constant 0 : i32
    %dma_wait3A_141 = tpu.memref_slice %arg3[%dma_wait3A_139, %dma_wait3A_140] : memref<100000x768xf32, #tpu.memory_space<hbm>> -> memref<100000x768xf32, #tpu.memory_space<hbm>>
    tpu.wait_indirect_dma semaphore(%arg8 : memref<!tpu.dma_semaphore, #tpu.memory_space<semaphore_mem>>) src(%dma_wait3A_141 : memref<100000x768xf32, #tpu.memory_space<hbm>>) dst(%arg6 : memref<64x768xf32, #tpu.memory_space<vmem>>)
    %add3A_142 = arith.constant 256 : i32
    %add3A_143 = arith.addi %mul3A_32, %add3A_142 : i32
    %dma_start3A_144 = arith.constant 0 : i32
    %dma_start3A_145 = tpu.memref_slice %arg4[%select_n3A, %add3A_143, %dma_start3A_144] : memref<4x4096x768xf32, #tpu.memory_space<hbm>> -> memref<1x64x768xf32, #tpu.memory_space<hbm>>
    %dma_start3A_146 = tpu.memref_squeeze %dma_start3A_145 : memref<1x64x768xf32, #tpu.memory_space<hbm>> -> memref<64x768xf32, #tpu.memory_space<hbm>>
    %dma_start3A_147 = arith.constant 0 : i32
    %dma_start3A_148 = tpu.memref_slice %arg4[%select_n3A, %add3A_143, %dma_start3A_147] : memref<4x4096x768xf32, #tpu.memory_space<hbm>> -> memref<1x64x768xf32, #tpu.memory_space<hbm>>
    %dma_start3A_149 = tpu.memref_squeeze %dma_start3A_148 : memref<1x64x768xf32, #tpu.memory_space<hbm>> -> memref<64x768xf32, #tpu.memory_space<hbm>>
    tpu.enqueue_dma source(%arg6 : memref<64x768xf32, #tpu.memory_space<vmem>>) target(%dma_start3A_149 : memref<64x768xf32, #tpu.memory_space<hbm>>) target_semaphore(%arg10 : memref<!tpu.dma_semaphore, #tpu.memory_space<semaphore_mem>>)
    %dma_wait3A_150 = arith.constant 0 : i32
    %dma_wait3A_151 = tpu.memref_slice %arg4[%select_n3A, %add3A_143, %dma_wait3A_150] : memref<4x4096x768xf32, #tpu.memory_space<hbm>> -> memref<1x64x768xf32, #tpu.memory_space<hbm>>
    %dma_wait3A_152 = tpu.memref_squeeze %dma_wait3A_151 : memref<1x64x768xf32, #tpu.memory_space<hbm>> -> memref<64x768xf32, #tpu.memory_space<hbm>>
    %dma_wait3A_153 = arith.constant 0 : i32
    %dma_wait3A_154 = tpu.memref_slice %arg4[%select_n3A, %add3A_143, %dma_wait3A_153] : memref<4x4096x768xf32, #tpu.memory_space<hbm>> -> memref<1x64x768xf32, #tpu.memory_space<hbm>>
    %dma_wait3A_155 = tpu.memref_squeeze %dma_wait3A_154 : memref<1x64x768xf32, #tpu.memory_space<hbm>> -> memref<64x768xf32, #tpu.memory_space<hbm>>
    tpu.wait_dma2 semaphore(%arg10 : memref<!tpu.dma_semaphore, #tpu.memory_space<semaphore_mem>>) src(%arg6 : memref<64x768xf32, #tpu.memory_space<vmem>>) dst(%dma_wait3A_155 : memref<64x768xf32, #tpu.memory_space<hbm>>)
    %dma_start3A_156 = arith.constant 384 : i32
    %dma_start3A_157 = tpu.memref_slice %arg5[%dma_start3A_156] : memref<512xi32, #tpu.memory_space<vmem>> -> memref<64xi32, #tpu.memory_space<vmem>>
    %dma_start3A_158 = arith.constant 0 : i32
    %dma_start3A_159 = arith.constant 0 : i32
    %dma_start3A_160 = tpu.memref_slice %arg3[%dma_start3A_158, %dma_start3A_159] : memref<100000x768xf32, #tpu.memory_space<hbm>> -> memref<100000x768xf32, #tpu.memory_space<hbm>>
    tpu.enqueue_indirect_dma source(%dma_start3A_160 : memref<100000x768xf32, #tpu.memory_space<hbm>>) target(%arg6 : memref<64x768xf32, #tpu.memory_space<vmem>>) offsets(%dma_start3A_157 : memref<64xi32, #tpu.memory_space<vmem>>) semaphore(%arg8 : memref<!tpu.dma_semaphore, #tpu.memory_space<semaphore_mem>>)
    %dma_wait3A_161 = arith.constant 320 : i32
    %dma_wait3A_162 = tpu.memref_slice %arg5[%dma_wait3A_161] : memref<512xi32, #tpu.memory_space<vmem>> -> memref<64xi32, #tpu.memory_space<vmem>>
    %dma_wait3A_163 = arith.constant 0 : i32
    %dma_wait3A_164 = arith.constant 0 : i32
    %dma_wait3A_165 = tpu.memref_slice %arg3[%dma_wait3A_163, %dma_wait3A_164] : memref<100000x768xf32, #tpu.memory_space<hbm>> -> memref<100000x768xf32, #tpu.memory_space<hbm>>
    tpu.wait_indirect_dma semaphore(%arg9 : memref<!tpu.dma_semaphore, #tpu.memory_space<semaphore_mem>>) src(%dma_wait3A_165 : memref<100000x768xf32, #tpu.memory_space<hbm>>) dst(%arg7 : memref<64x768xf32, #tpu.memory_space<vmem>>)
    %add3A_166 = arith.constant 320 : i32
    %add3A_167 = arith.addi %mul3A_32, %add3A_166 : i32
    %dma_start3A_168 = arith.constant 0 : i32
    %dma_start3A_169 = tpu.memref_slice %arg4[%select_n3A, %add3A_167, %dma_start3A_168] : memref<4x4096x768xf32, #tpu.memory_space<hbm>> -> memref<1x64x768xf32, #tpu.memory_space<hbm>>
    %dma_start3A_170 = tpu.memref_squeeze %dma_start3A_169 : memref<1x64x768xf32, #tpu.memory_space<hbm>> -> memref<64x768xf32, #tpu.memory_space<hbm>>
    %dma_start3A_171 = arith.constant 0 : i32
    %dma_start3A_172 = tpu.memref_slice %arg4[%select_n3A, %add3A_167, %dma_start3A_171] : memref<4x4096x768xf32, #tpu.memory_space<hbm>> -> memref<1x64x768xf32, #tpu.memory_space<hbm>>
    %dma_start3A_173 = tpu.memref_squeeze %dma_start3A_172 : memref<1x64x768xf32, #tpu.memory_space<hbm>> -> memref<64x768xf32, #tpu.memory_space<hbm>>
    tpu.enqueue_dma source(%arg7 : memref<64x768xf32, #tpu.memory_space<vmem>>) target(%dma_start3A_173 : memref<64x768xf32, #tpu.memory_space<hbm>>) target_semaphore(%arg11 : memref<!tpu.dma_semaphore, #tpu.memory_space<semaphore_mem>>)
    %dma_wait3A_174 = arith.constant 0 : i32
    %dma_wait3A_175 = tpu.memref_slice %arg4[%select_n3A, %add3A_167, %dma_wait3A_174] : memref<4x4096x768xf32, #tpu.memory_space<hbm>> -> memref<1x64x768xf32, #tpu.memory_space<hbm>>
    %dma_wait3A_176 = tpu.memref_squeeze %dma_wait3A_175 : memref<1x64x768xf32, #tpu.memory_space<hbm>> -> memref<64x768xf32, #tpu.memory_space<hbm>>
    %dma_wait3A_177 = arith.constant 0 : i32
    %dma_wait3A_178 = tpu.memref_slice %arg4[%select_n3A, %add3A_167, %dma_wait3A_177] : memref<4x4096x768xf32, #tpu.memory_space<hbm>> -> memref<1x64x768xf32, #tpu.memory_space<hbm>>
    %dma_wait3A_179 = tpu.memref_squeeze %dma_wait3A_178 : memref<1x64x768xf32, #tpu.memory_space<hbm>> -> memref<64x768xf32, #tpu.memory_space<hbm>>
    tpu.wait_dma2 semaphore(%arg11 : memref<!tpu.dma_semaphore, #tpu.memory_space<semaphore_mem>>) src(%arg7 : memref<64x768xf32, #tpu.memory_space<vmem>>) dst(%dma_wait3A_179 : memref<64x768xf32, #tpu.memory_space<hbm>>)
    %dma_start3A_180 = arith.constant 448 : i32
    %dma_start3A_181 = tpu.memref_slice %arg5[%dma_start3A_180] : memref<512xi32, #tpu.memory_space<vmem>> -> memref<64xi32, #tpu.memory_space<vmem>>
    %dma_start3A_182 = arith.constant 0 : i32
    %dma_start3A_183 = arith.constant 0 : i32
    %dma_start3A_184 = tpu.memref_slice %arg3[%dma_start3A_182, %dma_start3A_183] : memref<100000x768xf32, #tpu.memory_space<hbm>> -> memref<100000x768xf32, #tpu.memory_space<hbm>>
    tpu.enqueue_indirect_dma source(%dma_start3A_184 : memref<100000x768xf32, #tpu.memory_space<hbm>>) target(%arg7 : memref<64x768xf32, #tpu.memory_space<vmem>>) offsets(%dma_start3A_181 : memref<64xi32, #tpu.memory_space<vmem>>) semaphore(%arg9 : memref<!tpu.dma_semaphore, #tpu.memory_space<semaphore_mem>>)
    %dma_wait3A_185 = arith.constant 384 : i32
    %dma_wait3A_186 = tpu.memref_slice %arg5[%dma_wait3A_185] : memref<512xi32, #tpu.memory_space<vmem>> -> memref<64xi32, #tpu.memory_space<vmem>>
    %dma_wait3A_187 = arith.constant 0 : i32
    %dma_wait3A_188 = arith.constant 0 : i32
    %dma_wait3A_189 = tpu.memref_slice %arg3[%dma_wait3A_187, %dma_wait3A_188] : memref<100000x768xf32, #tpu.memory_space<hbm>> -> memref<100000x768xf32, #tpu.memory_space<hbm>>
    tpu.wait_indirect_dma semaphore(%arg8 : memref<!tpu.dma_semaphore, #tpu.memory_space<semaphore_mem>>) src(%dma_wait3A_189 : memref<100000x768xf32, #tpu.memory_space<hbm>>) dst(%arg6 : memref<64x768xf32, #tpu.memory_space<vmem>>)
    %add3A_190 = arith.constant 384 : i32
    %add3A_191 = arith.addi %mul3A_32, %add3A_190 : i32
    %dma_start3A_192 = arith.constant 0 : i32
    %dma_start3A_193 = tpu.memref_slice %arg4[%select_n3A, %add3A_191, %dma_start3A_192] : memref<4x4096x768xf32, #tpu.memory_space<hbm>> -> memref<1x64x768xf32, #tpu.memory_space<hbm>>
    %dma_start3A_194 = tpu.memref_squeeze %dma_start3A_193 : memref<1x64x768xf32, #tpu.memory_space<hbm>> -> memref<64x768xf32, #tpu.memory_space<hbm>>
    %dma_start3A_195 = arith.constant 0 : i32
    %dma_start3A_196 = tpu.memref_slice %arg4[%select_n3A, %add3A_191, %dma_start3A_195] : memref<4x4096x768xf32, #tpu.memory_space<hbm>> -> memref<1x64x768xf32, #tpu.memory_space<hbm>>
    %dma_start3A_197 = tpu.memref_squeeze %dma_start3A_196 : memref<1x64x768xf32, #tpu.memory_space<hbm>> -> memref<64x768xf32, #tpu.memory_space<hbm>>
    tpu.enqueue_dma source(%arg6 : memref<64x768xf32, #tpu.memory_space<vmem>>) target(%dma_start3A_197 : memref<64x768xf32, #tpu.memory_space<hbm>>) target_semaphore(%arg10 : memref<!tpu.dma_semaphore, #tpu.memory_space<semaphore_mem>>)
    %dma_wait3A_198 = arith.constant 448 : i32
    %dma_wait3A_199 = tpu.memref_slice %arg5[%dma_wait3A_198] : memref<512xi32, #tpu.memory_space<vmem>> -> memref<64xi32, #tpu.memory_space<vmem>>
    %dma_wait3A_200 = arith.constant 0 : i32
    %dma_wait3A_201 = arith.constant 0 : i32
    %dma_wait3A_202 = tpu.memref_slice %arg3[%dma_wait3A_200, %dma_wait3A_201] : memref<100000x768xf32, #tpu.memory_space<hbm>> -> memref<100000x768xf32, #tpu.memory_space<hbm>>
    tpu.wait_indirect_dma semaphore(%arg9 : memref<!tpu.dma_semaphore, #tpu.memory_space<semaphore_mem>>) src(%dma_wait3A_202 : memref<100000x768xf32, #tpu.memory_space<hbm>>) dst(%arg7 : memref<64x768xf32, #tpu.memory_space<vmem>>)
    %add3A_203 = arith.constant 448 : i32
    %add3A_204 = arith.addi %mul3A_32, %add3A_203 : i32
    %dma_start3A_205 = arith.constant 0 : i32
    %dma_start3A_206 = tpu.memref_slice %arg4[%select_n3A, %add3A_204, %dma_start3A_205] : memref<4x4096x768xf32, #tpu.memory_space<hbm>> -> memref<1x64x768xf32, #tpu.memory_space<hbm>>
    %dma_start3A_207 = tpu.memref_squeeze %dma_start3A_206 : memref<1x64x768xf32, #tpu.memory_space<hbm>> -> memref<64x768xf32, #tpu.memory_space<hbm>>
    %dma_start3A_208 = arith.constant 0 : i32
    %dma_start3A_209 = tpu.memref_slice %arg4[%select_n3A, %add3A_204, %dma_start3A_208] : memref<4x4096x768xf32, #tpu.memory_space<hbm>> -> memref<1x64x768xf32, #tpu.memory_space<hbm>>
    %dma_start3A_210 = tpu.memref_squeeze %dma_start3A_209 : memref<1x64x768xf32, #tpu.memory_space<hbm>> -> memref<64x768xf32, #tpu.memory_space<hbm>>
    tpu.enqueue_dma source(%arg7 : memref<64x768xf32, #tpu.memory_space<vmem>>) target(%dma_start3A_210 : memref<64x768xf32, #tpu.memory_space<hbm>>) target_semaphore(%arg11 : memref<!tpu.dma_semaphore, #tpu.memory_space<semaphore_mem>>)
    %dma_wait3A_211 = arith.constant 0 : i32
    %dma_wait3A_212 = tpu.memref_slice %arg4[%select_n3A, %add3A_204, %dma_wait3A_211] : memref<4x4096x768xf32, #tpu.memory_space<hbm>> -> memref<1x64x768xf32, #tpu.memory_space<hbm>>
    %dma_wait3A_213 = tpu.memref_squeeze %dma_wait3A_212 : memref<1x64x768xf32, #tpu.memory_space<hbm>> -> memref<64x768xf32, #tpu.memory_space<hbm>>
    %dma_wait3A_214 = arith.constant 0 : i32
    %dma_wait3A_215 = tpu.memref_slice %arg4[%select_n3A, %add3A_204, %dma_wait3A_214] : memref<4x4096x768xf32, #tpu.memory_space<hbm>> -> memref<1x64x768xf32, #tpu.memory_space<hbm>>
    %dma_wait3A_216 = tpu.memref_squeeze %dma_wait3A_215 : memref<1x64x768xf32, #tpu.memory_space<hbm>> -> memref<64x768xf32, #tpu.memory_space<hbm>>
    tpu.wait_dma2 semaphore(%arg11 : memref<!tpu.dma_semaphore, #tpu.memory_space<semaphore_mem>>) src(%arg7 : memref<64x768xf32, #tpu.memory_space<vmem>>) dst(%dma_wait3A_216 : memref<64x768xf32, #tpu.memory_space<hbm>>)
    %dma_wait3A_217 = arith.constant 0 : i32
    %dma_wait3A_218 = tpu.memref_slice %arg4[%select_n3A, %add3A_191, %dma_wait3A_217] : memref<4x4096x768xf32, #tpu.memory_space<hbm>> -> memref<1x64x768xf32, #tpu.memory_space<hbm>>
    %dma_wait3A_219 = tpu.memref_squeeze %dma_wait3A_218 : memref<1x64x768xf32, #tpu.memory_space<hbm>> -> memref<64x768xf32, #tpu.memory_space<hbm>>
    %dma_wait3A_220 = arith.constant 0 : i32
    %dma_wait3A_221 = tpu.memref_slice %arg4[%select_n3A, %add3A_191, %dma_wait3A_220] : memref<4x4096x768xf32, #tpu.memory_space<hbm>> -> memref<1x64x768xf32, #tpu.memory_space<hbm>>
    %dma_wait3A_222 = tpu.memref_squeeze %dma_wait3A_221 : memref<1x64x768xf32, #tpu.memory_space<hbm>> -> memref<64x768xf32, #tpu.memory_space<hbm>>
    tpu.wait_dma2 semaphore(%arg10 : memref<!tpu.dma_semaphore, #tpu.memory_space<semaphore_mem>>) src(%arg6 : memref<64x768xf32, #tpu.memory_space<vmem>>) dst(%dma_wait3A_222 : memref<64x768xf32, #tpu.memory_space<hbm>>)
    return
  }
}

</mosaic_0001>

<sc_bundles>
// kernel: kernel.3.cloned.1.call-start
scs
__scs_entry_jumppad:
0x0: {  	(pc) =	sbr.rel $0x88, $3  }
0x1: {  	(tag) =	ssettag $0x0;
	lr =	simm.s32 $0x1  }
0x2: {  	[smem:$0x3F9F] =	sst lr;
	_ =	strace $0xD0000000  }
0x3: {  	_ = 	snop  }
0x4: {  	_ = 	snop  }
0x5: {  	_ = 	snop  }
0x6: {  	_ = 	snop  }
0x7: {  	_ = 	snop  }
__scs_overlays_trampoline_lowered:
0x8: {  	[smem:$0x3FAE] =	sst s0  }
0x9: {  	[smem:$0x3FAF] =	sst s1  }
0xa: {  	[smem:$0x3FB0] =	sst s2  }
0xb: {  	[smem:$0x3FB1] =	sst s3  }
0xc: {  	[smem:$0x3FB2] =	sst s4  }
0xd: {  	[smem:$0x3FB3] =	sst s5  }
0xe: {  	[smem:$0x3FB4] =	sst s6  }
0xf: {  	[smem:$0x3FB5] =	sst s7  }
0x10: {  	[smem:$0x3FB6] =	sst s8  }
0x11: {  	[smem:$0x3FB7] =	sst s9;
	s0 =	simm.s32 @!p0 $0x0  }
0x12: {  	s1 =	sld [smem:$0x3F9D];
	s0 =	simm.s32 @p0 $0x1  }
0x13: {  	[smem:$0x3FB8] =	sst s0;
	s0 =	simm.s32 @!p1 $0x0  }
0x14: {  	s2 =	sld [smem:$0x3F9C];
	s0 =	simm.s32 @p1 $0x1  }
0x15: {  	[smem:$0x3FB9] =	sst s0;
	s0 =	simm.s32 @!p2 $0x0  }
0x16: {  	s3 =	sld [smem:$0x3FDB];
	s0 =	simm.s32 @p2 $0x1  }
0x17: {  	s4 =	simm.s32 $0x1BF5;
	[smem:$0x3FBB] =	sst s0  }
0x18: {  	s0 =	sld [smem:$0x3F9E];
	_ =	swait.ge [sflag:s4], $0x0  }
0x19: {  	s7 =	sld [smem:$0x3F9F]  }
0x1a: {  	s8 =	sadd.s32 $0xFFFFE003, lr  }
0x1b: {  	s9 =	sadd.s32 $0xFFFFFEF7, lr;
	s5 =	simm.s32 $0xFFFFFFFF;
	p2 =	slt.u32 s8, $0xFFFFF086  }
0x1c: {  	p1 =	slt.u32 s9, $0xF7A;
	s5 =	simm.s32 @!p2 $0x0  }
0x1d: {  	s5 =	simm.s32 @p1 $0x1;
	p0 =	seq.s32 s7, s2  }
0x1e: {  	s7 =	smul.u32 @!p0 $0xF7A, s2;
	p2 =	seq.s32 @!p0 s5, $0x0  }
0x1f: {  	s9 =	smul.u32 $0xF7A, s1;
	s8 =	simm.s32 @!p0 $0x1BF5;
	p2 =	por !p2, p0  }
0x20: {  	[sflag:s8] =	ssyncset.s32 @!p0 $0xFFFFF086;
	s6 =	sadd.s32 @!p0 s3, s7;
	s7 =	simm.s32 @!p0 $0x108  }
0x21: {  	s3 =	sadd.s32 s3, s9;
	s6 =	sadd.s32 @!p0 $0x88, s6;
	s7 =	simm.s32 @p2 $0x1082  }
0x22: {  	[simem:s7], [sflag:s8] =	dma.local @!p0 [hbm:s6], $0xF7A  }
0x23: {  	s9 =	sor.u32 $0xD0000000, s2;
	s6 =	simm.s32 $0x108;
	_ =	swait.ge @!p0 [sflag:s8], $0x0  }
0x24: {  	s3 =	sadd.s32 $0x88, s3;
	s6 =	simm.s32 @!p1 $0x1082;
	[sflag:s4] =	ssyncset.s32 $0xFFFFF086  }
0x25: {  	[simem:s6], [sflag:s4] =	dma.local [hbm:s3], $0xF7A  }
0x26: {  	[smem:$0x3F9F] =	sst s1;
	(tag) =	ssettag s2;
	_ =	strace s9  }
0x27: {  	s1 =	sld [smem:$0x3FAF]  }
0x28: {  	s2 =	sld [smem:$0x3FB0]  }
0x29: {  	s4 =	sld [smem:$0x3FB2]  }
0x2a: {  	p0 =	seq.s32 s5, $0x0;
	s5 =	sld [smem:$0x3FB3]  }
0x2b: {  	s6 =	sld [smem:$0x3FB4]  }
0x2c: {  	s7 =	sld [smem:$0x3FB5]  }
0x2d: {  	s3 =	simm.s32 $0x108;
	s8 =	sld [smem:$0x3FB6]  }
0x2e: {  	s3 =	simm.s32 @!p0 $0x1082;
	s9 =	sld [smem:$0x3FB7]  }
0x2f: {  	lr =	sadd.s32 s0, s3;
	s0 =	sld [smem:$0x3FAE]  }
0x30: {  	s3 =	sld [smem:$0x3FB1]  }
0x31: {  	[smem:$0x3FBA] =	sst s10  }
0x32: {  	s10 =	sld [smem:$0x3FB8];
	_ =	sdelay $0x3  }
0x33: {  	p0 =	seq.s32 s10, $0x1;
	s10 =	sld [smem:$0x3FBA];
	_ =	sdelay $0x3  }
0x34: {  	[smem:$0x3FBA] =	sst s10  }
0x35: {  	s10 =	sld [smem:$0x3FB9];
	_ =	sdelay $0x3  }
0x36: {  	p1 =	seq.s32 s10, $0x1;
	s10 =	sld [smem:$0x3FBA];
	_ =	sdelay $0x3  }
0x37: {  	[smem:$0x3FBA] =	sst s10  }
0x38: {  	s10 =	sld [smem:$0x3FBB]  }
0x39: {  	_ = 	snop;
	(pc) =	sbr.ind lr, $3  }
0x3a: {  	_ = 	snop  }
0x3b: {  	_ = 	snop  }
0x3c: {  	p2 =	seq.s32 s10, $0x1;
	s10 =	sld [smem:$0x3FBA]  }
0x3d: {  	_ =	shalt  }
0x3e: {  	_ =	shalt  }
0x3f: {  	_ =	shalt  }
0x40: {  	_ =	shalt  }
0x41: {  	_ =	shalt  }
0x42: {  	_ =	shalt  }
0x43: {  	_ =	shalt  }
0x44: {  	_ =	shalt  }
0x45: {  	_ =	shalt  }
0x46: {  	_ =	shalt  }
0x47: {  	_ =	shalt  }
0x48: {  	_ =	shalt  }
0x49: {  	_ =	shalt  }
0x4a: {  	_ =	shalt  }
0x4b: {  	_ =	shalt  }
0x4c: {  	_ =	shalt  }
0x4d: {  	_ =	shalt  }
0x4e: {  	_ =	shalt  }
0x4f: {  	_ =	shalt  }
0x50: {  	_ =	shalt  }
0x51: {  	_ =	shalt  }
0x52: {  	_ =	shalt  }
0x53: {  	_ =	shalt  }
0x54: {  	_ =	shalt  }
0x55: {  	_ =	shalt  }
0x56: {  	_ =	shalt  }
0x57: {  	_ =	shalt  }
0x58: {  	_ =	shalt  }
0x59: {  	_ =	shalt  }
0x5a: {  	_ =	shalt  }
0x5b: {  	_ =	shalt  }
0x5c: {  	_ =	shalt  }
0x5d: {  	_ =	shalt  }
0x5e: {  	_ =	shalt  }
0x5f: {  	_ =	shalt  }
0x60: {  	_ =	shalt  }
0x61: {  	_ =	shalt  }
0x62: {  	_ =	shalt  }
0x63: {  	_ =	shalt  }
0x64: {  	_ =	shalt  }
0x65: {  	_ =	shalt  }
0x66: {  	_ =	shalt  }
0x67: {  	_ =	shalt  }
0x68: {  	_ =	shalt  }
0x69: {  	_ =	shalt  }
0x6a: {  	_ =	shalt  }
0x6b: {  	_ =	shalt  }
0x6c: {  	_ =	shalt  }
0x6d: {  	_ =	shalt  }
0x6e: {  	_ =	shalt  }
0x6f: {  	_ =	shalt  }
0x70: {  	_ =	shalt  }
0x71: {  	_ =	shalt  }
0x72: {  	_ =	shalt  }
0x73: {  	_ =	shalt  }
0x74: {  	_ =	shalt  }
0x75: {  	_ =	shalt  }
0x76: {  	_ =	shalt  }
0x77: {  	_ =	shalt  }
0x78: {  	_ =	shalt  }
0x79: {  	_ =	shalt  }
0x7a: {  	_ =	shalt  }
0x7b: {  	_ =	shalt  }
0x7c: {  	_ =	shalt  }
0x7d: {  	_ =	shalt  }
0x7e: {  	_ =	shalt  }
0x7f: {  	_ =	shalt  }
0x80: {  	_ =	shalt  }
0x81: {  	_ =	shalt  }
0x82: {  	_ =	shalt  }
0x83: {  	_ =	shalt  }
0x84: {  	_ =	shalt  }
0x85: {  	_ =	shalt  }
0x86: {  	_ =	shalt  }
0x87: {  	_ =	shalt  }
.Lfunc_end0:
.L_simem_size_0:
called_computation_lowered:
.L_overlay_start_0:
0x88: {  	s2 =	sld [smem:$0x3FD9]  }
0x89: {  	s3 =	sld [smem:$0x3FFE];
	_ =	sdelay $0x1  }
0x8a: {  	s1 =	srdreg.scid  }
0x8b: {  	s0 =	sand.u32 $0x1, s1  }
0x8c: {  	s18 =	sshll.u32 s0, $0xA;
	s2 =	sadd.s32 s3, s2  }
0x8d: {  	s2 =	sadd.s32 s2, s18  }
0x8e: {  	[smem:$0x3FC6] =	sst s2  }
0x8f: {  	_ = 	snop  }
0x90: {  	s2 =	sld [smem:$0x3FC9]  }
0x91: {  	s19 =	sld [smem:$0x3FC8]  }
0x92: {  	s4 =	sld [smem:$0x3FD0];
	(tm) =	ssettm $0x1  }
0x93: {  	s5 =	sld [smem:$0x3FFB];
	_ =	sdelay $0x3  }
0x94: {  	_ =	strace s5  }
0x95: {  	s5 =	sld [smem:$0x3FFC];
	_ =	sdelay $0x3  }
0x96: {  	_ =	strace s5  }
0x97: {  	s5 =	sld [smem:$0x3FFD];
	_ =	sdelay $0x3  }
0x98: {  	_ =	strace s5  }
0x99: {  	_ =	strace $0x8FFFFFFF  }
0x9a: {  	s20 =	sld [smem:$0x3FDB];
	_ =	sdelay $0x1  }
0x9b: {  	s6 =	simm.s32 $_scs_section_size  }
0x9c: {  	s7 =	simm.s32 $_size__tile_overlayer_lowered;
	s8 =	simm.s32 $_tile_overlayer_lowered  }
0x9d: {  	s23 =	simm.s32 $0x1BFF;
	s22 =	sshll.u32 s8, $0x1;
	s5 =	sadd.s32 s6, s20  }
0x9e: {  	s9 =	simm.s32 $0x0;
	s21 =	sshll.u32 s7, $0x1;
	s7 =	sadd.s32 s22, s5  }
0x9f: {  	[timem:s9], [sflag:s23] =	dma.local [hbm:s7], s21  }
0xa0: {  	_ =	swait.ge [sflag:s23], s21  }
0xa1: {  	s6 =	ssub.s32 $0x0, s21;
	[sflag:s23] =	ssyncset.done $0x0  }
0xa2: {  	[sflag:s23] =	ssyncadd.s32 s6;
	_ =	sdelay $0x1  }
0xa3: {  	s24 =	simm.s32 $0x1B8B  }
0xa4: {  	_ =	swait.ge [sflag:s24], $0x1  }
0xa5: {  	[sflag:s24] =	ssyncset.done $0x0  }
0xa6: {  	s25 =	simm.s32 $0x1B8E;
	[sflag:s24] =	ssyncadd.s32 $0xFFFFFFFF  }
0xa7: {  	s26 =	simm.s32 $execute0_lowered;
	[smem:$0x3FD2] =	sst s25  }
0xa8: {  	s6 =	sshll.u32 s26, $0x1;
	_ =	strace $0x80000046;
	[dreg:$0x1] =	wrdreg $0xFFFFFFFF  }
0xa9: {  	s28 =	simm.s32 $_size_execute0_lowered;
	s5 =	sadd.s32 s5, s6;
	[dreg:$0x0] =	wrdreg $0x0  }
0xaa: {  	s6 =	sshll.u32 s28, $0x1;
	[dreg:$0x2] =	wrdreg s5  }
0xab: {  	[dreg:$0x3] =	wrdreg s6  }
0xac: {  	[dreg:$0x4] =	wrdreg $0xC0  }
0xad: {  	_ =	task [dreg:s9], $0x5FFFF  }
0xae: {  	[dreg:$0x1] =	wrdreg $0xFFFFFFFF  }
0xaf: {  	[dreg:$0x0] =	wrdreg $0x60  }
0xb0: {  	[dreg:$0x2] =	wrdreg s2  }
0xb1: {  	[dreg:$0x3] =	wrdreg s19  }
0xb2: {  	[dreg:$0x4] =	wrdreg s4  }
0xb3: {  	[dreg:$0x5] =	wrdreg $0x9  }
0xb4: {  	_ =	task.clear_ibuf [dreg:s9], $0x6FFFF;
	_ =	strace $0x90000046  }
0xb5: {  	s29 =	simm.s32 $0x9;
	_ =	strace $0x80000048  }
0xb6: {  	_ =	swait.ge [sflag:s29], $0x1  }
0xb7: {  	[sflag:s29] =	ssyncadd.s32 $0xFFFFFFFF  }
0xb8: {  	_ =	strace $0x90000048  }
0xb9: {  	_ =	sfence  }
0xba: {  	s30 =	sld [smem:$0x0];
	_ =	sdelay $0x2  }
0xbb: {  	s31 =	sshll.u32 s1, $0xD;
	s1 =	sshrl.u32 s1, $0x2  }
0xbc: {  	s3 =	sand.u32 $0x4000, s31;
	s1 =	sadd.s32 s1, s30  }
0xbd: {  	s0 =	sor.u32 s3, s0;
	s1 =	sshll.u32 s1, $0x11  }
0xbe: {  	s0 =	sor.u32 s1, s0  }
0xbf: {  	s0 =	sadd.s32 $0x8F2B, s0  }
0xc0: {  	[sflag:s0] =	ssyncadd.remote.s32 $0x1  }
0xc1: {  	_ =	sfence.sel $0xFFFF  }
0xc2: {  	[dreg:$0x0] =	wrdreg $0xFFFFFFFF;
	(pc) =	sbr.abs _section_cstart, $3  }
0xc3: {  	[dreg:$0x1] =	wrdreg $0xFFFFFFFF  }
0xc4: {  	_ =	task.clear_ibuf [dreg:s9], $0x2FFFF;
	_ =	strace $0x9FFFFFFF  }
0xc5: {  	(tm) =	ssettm $0x7FFFFFFF  }
tec
execute0_lowered:
.L_overlay_start_1:
0x0: {  	(tag) =	ssettag $0x1  }
0x1: {  	s4 =	stileid.u32;
	s0 =	rddreg [dreg:$0x0]  }
0x2: {  	s1 =	srdreg.scid;
	s7 =	rddreg [dreg:$0x2]  }
0x3: {  	s31 =	simm.s32 $0x80;
	s18 =	simm.s32 $0xC200;
	s2 =	sshll.u32 s4, $0x1  }
0x4: {  	s1 =	sand.u32 $0x1, s1;
	s4 =	sshrl.u32 s4, $0x2;
	s3 =	sand.u32 $0x6, s2  }
0x5: {  	s2 =	rddreg [dreg:$0x1];
	s6 =	smul.u32 $0x300000, s4;
	s5 =	sor.u32 s1, s3  }
0x6: {  	s4 =	sshll.u32 s4, $0x4;
	s3 =	simm.s32 $0x0;
	s8 =	smul.u32 $0x60000, s5  }
0x7: {  	s9 =	simm.s32 $0x3;
	s0 =	sadd.s32 s0, s4;
	[smem:$0x7FF] =	sst s3  }
0x8: {  	s5 =	sshll.u32 s5, $0x8;
	_ =	strace $0x80000047;
	s6 =	sadd.s32 s6, s8  }
0x9: {  	s0 =	sadd.s32 s5, s0;
	[dreg:$0xc] =	wrdreg s31;
	s21 =	sshrl.u32 s6, $0x3  }
0xa: {  	s10 =	simm.s32 $0x2;
	[dreg:$0x4] =	wrdreg s0;
	s7 =	sadd.s32 s7, s21  }
0xb: {  	s11 =	simm.s32 $0x4;
	s22 =	sadd.s32 $0x1800, s7;
	[dreg:$0xd] =	wrdreg s7  }
0xc: {  	s1 =	ssub.s32 $0x2, s1;
	s23 =	sadd.s32 $0x3000, s7;
	[dreg:$0x5] =	wrdreg s22  }
0xd: {  	s25 =	sshrl.u32 s1, $0x1;
	s24 =	sadd.s32 $0x4800, s7;
	[dreg:$0x6] =	wrdreg s23  }
0xe: {  	s1 =	ssub.s32 s1, s25;
	s26 =	sadd.s32 $0x6000, s7;
	[dreg:$0x7] =	wrdreg s24  }
0xf: {  	s5 =	sadd.s32 $0x100, s2;
	s28 =	sadd.s32 $0x7800, s7;
	[dreg:$0x8] =	wrdreg s26  }
0x10: {  	v2 =	vlaneseq.u32;
	s8 =	simm.s32 $0x200;
	s29 =	sadd.s32 $0x9000, s7;
	[dreg:$0x9] =	wrdreg s28  }
0x11: {  	vm0 =	vmmov $0xffff;
	v1 =	vshrl.u32 v2, $0x3;
	s0 =	simm.s32 $0x1;
	s30 =	sadd.s32 $0xA800, s7;
	[dreg:$0xa] =	wrdreg s29  }
0x12: {  	v0 =	vand.u32 $0x7, v2;
	v2 =	vor.u32 $0x8, v2;
	v1 =	vmul.u32 $0x8, v1;
	s6 =	sadd.s32 $0x200, s2;
	s7 =	smax.u32 s1, $0x1;
	[dreg:$0xb] =	wrdreg s30  }
.LBB2_1:
0x13: {  	s12 =	rddreg [dreg:$0x4]  }
0x14: {  	s13 =	rddreg [dreg:$0xc];
	s28 =	simm.s32 $0x5  }
0x15: {  	[tilespmem:s3], [sflag:$0x5] =	stream.strided.gather [hbm4b:s12+s13], $0x200, s8, s13, $0x38;
	[tilespmem:$0x18200] =	vst v63  }
0x16: {  	_ =	swait.ge [sflag:s28], $0x200  }
0x17: {  	[sflag:s28] =	ssyncset.done $0x0  }
0x18: {  	[sflag:s28] =	ssyncadd.s32 $0xFFFFFE00  }
0x19: {  	v3 =	vld [tilespmem:$0x0];
	_ =	sdelay $0x4  }
0x1a: {  	v4 =	vshrl.u32 v3, $0x3  }
0x1b: {  	v4 =	vmul.u32 $0x30, v4  }
0x1c: {  	v3 =	vand.u32 $0x7, v3  }
0x1d: {  	v3 =	vor.u32 v3, v4  }
0x1e: {  	v4 =	vperm.xlane v3, v0;
	_ =	sdelay $0x1  }
0x1f: {  	v4 =	vadd.s32 v1, v4;
	_ =	sdelay $0x3  }
0x20: {  	v3 =	vperm.xlane v3, v2  }
0x21: {  	[tilespmem:s8], [sflag:$0x1] =	stream.indirect_vreg.gather [hbm4b:s2+s3], $0x80, v4, vm0, $0xb8;
	[tilespmem:$0x18200] =	vst v63  }
0x22: {  	s1 =	simm.s32 $0xA00;
	v3 =	vadd.s32 v1, v3  }
0x23: {  	[tilespmem:s1], [sflag:$0x1] =	stream.indirect_vreg.gather [hbm4b:s5+s3], $0x80, v4, vm0, $0xb8;
	[tilespmem:$0x18200] =	vst v63  }
0x24: {  	s29 =	simm.s32 $0x1200  }
0x25: {  	[tilespmem:s29], [sflag:$0x1] =	stream.indirect_vreg.gather [hbm4b:s6+s3], $0x80, v4, vm0, $0xb8;
	[tilespmem:$0x18200] =	vst v63  }
0x26: {  	s30 =	simm.s32 $0x1A00  }
0x27: {  	[tilespmem:s30], [sflag:$0x1] =	stream.indirect_vreg.gather [hbm4b:s2+s3], $0x80, v3, vm0, $0xb8;
	[tilespmem:$0x18200] =	vst v63  }
0x28: {  	s31 =	simm.s32 $0x2200  }
0x29: {  	[tilespmem:s31], [sflag:$0x1] =	stream.indirect_vreg.gather [hbm4b:s5+s3], $0x80, v3, vm0, $0xb8;
	[tilespmem:$0x18200] =	vst v63  }
0x2a: {  	s4 =	simm.s32 $0x2A00  }
0x2b: {  	[tilespmem:s4], [sflag:$0x1] =	stream.indirect_vreg.gather [hbm4b:s6+s3], $0x80, v3, vm0, $0xb8;
	[tilespmem:$0x18200] =	vst v63  }
0x2c: {  	v3 =	vld [tilespmem:$0x10];
	_ =	sdelay $0x4  }
0x2d: {  	v33 =	vshrl.u32 v3, $0x3  }
0x2e: {  	v4 =	vmul.u32 $0x30, v33  }
0x2f: {  	v3 =	vand.u32 $0x7, v3  }
0x30: {  	v3 =	vor.u32 v3, v4  }
0x31: {  	v4 =	vperm.xlane v3, v0;
	_ =	sdelay $0x1  }
0x32: {  	v4 =	vadd.s32 v1, v4;
	_ =	sdelay $0x3  }
0x33: {  	s12 =	simm.s32 $0x3200;
	v3 =	vperm.xlane v3, v2  }
0x34: {  	[tilespmem:s12], [sflag:$0x1] =	stream.indirect_vreg.gather [hbm4b:s2+s3], $0x80, v4, vm0, $0xb8;
	[tilespmem:$0x18200] =	vst v63  }
0x35: {  	s13 =	simm.s32 $0x3A00;
	v3 =	vadd.s32 v1, v3  }
0x36: {  	[tilespmem:s13], [sflag:$0x1] =	stream.indirect_vreg.gather [hbm4b:s5+s3], $0x80, v4, vm0, $0xb8;
	[tilespmem:$0x18200] =	vst v63  }
0x37: {  	s16 =	simm.s32 $0x4200  }
0x38: {  	[tilespmem:s16], [sflag:$0x1] =	stream.indirect_vreg.gather [hbm4b:s6+s3], $0x80, v4, vm0, $0xb8;
	[tilespmem:$0x18200] =	vst v63  }
0x39: {  	s17 =	simm.s32 $0x4A00  }
0x3a: {  	[tilespmem:s17], [sflag:$0x1] =	stream.indirect_vreg.gather [hbm4b:s2+s3], $0x80, v3, vm0, $0xb8;
	[tilespmem:$0x18200] =	vst v63  }
0x3b: {  	s19 =	simm.s32 $0x5200  }
0x3c: {  	[tilespmem:s19], [sflag:$0x1] =	stream.indirect_vreg.gather [hbm4b:s5+s3], $0x80, v3, vm0, $0xb8;
	[tilespmem:$0x18200] =	vst v63  }
0x3d: {  	s20 =	simm.s32 $0x5A00  }
0x3e: {  	[tilespmem:s20], [sflag:$0x1] =	stream.indirect_vreg.gather [hbm4b:s6+s3], $0x80, v3, vm0, $0xb8;
	[tilespmem:$0x18200] =	vst v63  }
0x3f: {  	v3 =	vld [tilespmem:$0x20];
	_ =	sdelay $0x4  }
0x40: {  	v34 =	vshrl.u32 v3, $0x3  }
0x41: {  	v4 =	vmul.u32 $0x30, v34  }
0x42: {  	v3 =	vand.u32 $0x7, v3  }
0x43: {  	v3 =	vor.u32 v3, v4  }
0x44: {  	v4 =	vperm.xlane v3, v0;
	_ =	sdelay $0x1  }
0x45: {  	v4 =	vadd.s32 v1, v4;
	_ =	sdelay $0x3  }
0x46: {  	s21 =	simm.s32 $0x6200;
	v3 =	vperm.xlane v3, v2  }
0x47: {  	[tilespmem:s21], [sflag:$0x1] =	stream.indirect_vreg.gather [hbm4b:s2+s3], $0x80, v4, vm0, $0xb8;
	[tilespmem:$0x18200] =	vst v63  }
0x48: {  	s22 =	simm.s32 $0x6A00;
	v3 =	vadd.s32 v1, v3  }
0x49: {  	[tilespmem:s22], [sflag:$0x1] =	stream.indirect_vreg.gather [hbm4b:s5+s3], $0x80, v4, vm0, $0xb8;
	[tilespmem:$0x18200] =	vst v63  }
0x4a: {  	s23 =	simm.s32 $0x7200  }
0x4b: {  	[tilespmem:s23], [sflag:$0x1] =	stream.indirect_vreg.gather [hbm4b:s6+s3], $0x80, v4, vm0, $0xb8;
	[tilespmem:$0x18200] =	vst v63  }
0x4c: {  	s24 =	simm.s32 $0x7A00  }
0x4d: {  	[tilespmem:s24], [sflag:$0x1] =	stream.indirect_vreg.gather [hbm4b:s2+s3], $0x80, v3, vm0, $0xb8;
	[tilespmem:$0x18200] =	vst v63  }
0x4e: {  	s25 =	simm.s32 $0x8200  }
0x4f: {  	[tilespmem:s25], [sflag:$0x1] =	stream.indirect_vreg.gather [hbm4b:s5+s3], $0x80, v3, vm0, $0xb8;
	[tilespmem:$0x18200] =	vst v63  }
0x50: {  	s28 =	simm.s32 $0x8A00  }
0x51: {  	[tilespmem:s28], [sflag:$0x1] =	stream.indirect_vreg.gather [hbm4b:s6+s3], $0x80, v3, vm0, $0xb8;
	[tilespmem:$0x18200] =	vst v63  }
0x52: {  	v3 =	vld [tilespmem:$0x30];
	_ =	sdelay $0x4  }
0x53: {  	v35 =	vshrl.u32 v3, $0x3  }
0x54: {  	v4 =	vmul.u32 $0x30, v35  }
0x55: {  	v3 =	vand.u32 $0x7, v3  }
0x56: {  	v3 =	vor.u32 v3, v4  }
0x57: {  	v4 =	vperm.xlane v3, v0;
	_ =	sdelay $0x1  }
0x58: {  	v4 =	vadd.s32 v1, v4;
	_ =	sdelay $0x3  }
0x59: {  	s29 =	simm.s32 $0x9200;
	v3 =	vperm.xlane v3, v2  }
0x5a: {  	[tilespmem:s29], [sflag:$0x1] =	stream.indirect_vreg.gather [hbm4b:s2+s3], $0x80, v4, vm0, $0xb8;
	[tilespmem:$0x18200] =	vst v63  }
0x5b: {  	s30 =	simm.s32 $0x9A00;
	v3 =	vadd.s32 v1, v3  }
0x5c: {  	[tilespmem:s30], [sflag:$0x1] =	stream.indirect_vreg.gather [hbm4b:s5+s3], $0x80, v4, vm0, $0xb8;
	[tilespmem:$0x18200] =	vst v63  }
0x5d: {  	s4 =	simm.s32 $0xA200  }
0x5e: {  	[tilespmem:s4], [sflag:$0x1] =	stream.indirect_vreg.gather [hbm4b:s6+s3], $0x80, v4, vm0, $0xb8;
	[tilespmem:$0x18200] =	vst v63  }
0x5f: {  	s12 =	simm.s32 $0xAA00  }
0x60: {  	[tilespmem:s12], [sflag:$0x1] =	stream.indirect_vreg.gather [hbm4b:s2+s3], $0x80, v3, vm0, $0xb8;
	[tilespmem:$0x18200] =	vst v63  }
0x61: {  	s13 =	simm.s32 $0xB200  }
0x62: {  	[tilespmem:s13], [sflag:$0x1] =	stream.indirect_vreg.gather [hbm4b:s5+s3], $0x80, v3, vm0, $0xb8;
	[tilespmem:$0x18200] =	vst v63  }
0x63: {  	s17 =	simm.s32 $0xBA00  }
0x64: {  	[tilespmem:s17], [sflag:$0x1] =	stream.indirect_vreg.gather [hbm4b:s6+s3], $0x80, v3, vm0, $0xb8;
	[tilespmem:$0x18200] =	vst v63  }
0x65: {  	v3 =	vld [tilespmem:$0x40];
	_ =	sdelay $0x4  }
0x66: {  	v36 =	vshrl.u32 v3, $0x3  }
0x67: {  	v4 =	vmul.u32 $0x30, v36  }
0x68: {  	v3 =	vand.u32 $0x7, v3  }
0x69: {  	v3 =	vor.u32 v3, v4  }
0x6a: {  	v4 =	vperm.xlane v3, v0;
	_ =	sdelay $0x1  }
0x6b: {  	v4 =	vadd.s32 v1, v4;
	_ =	sdelay $0x3  }
0x6c: {  	v3 =	vperm.xlane v3, v2  }
0x6d: {  	[tilespmem:s18], [sflag:$0x2] =	stream.indirect_vreg.gather [hbm4b:s2+s3], $0x80, v4, vm0, $0xb8;
	[tilespmem:$0x18200] =	vst v63  }
0x6e: {  	s19 =	simm.s32 $0xCA00;
	v3 =	vadd.s32 v1, v3  }
0x6f: {  	[tilespmem:s19], [sflag:$0x2] =	stream.indirect_vreg.gather [hbm4b:s5+s3], $0x80, v4, vm0, $0xb8;
	[tilespmem:$0x18200] =	vst v63  }
0x70: {  	s20 =	simm.s32 $0xD200  }
0x71: {  	[tilespmem:s20], [sflag:$0x2] =	stream.indirect_vreg.gather [hbm4b:s6+s3], $0x80, v4, vm0, $0xb8;
	[tilespmem:$0x18200] =	vst v63  }
0x72: {  	s21 =	simm.s32 $0xDA00  }
0x73: {  	[tilespmem:s21], [sflag:$0x2] =	stream.indirect_vreg.gather [hbm4b:s2+s3], $0x80, v3, vm0, $0xb8;
	[tilespmem:$0x18200] =	vst v63  }
0x74: {  	s22 =	simm.s32 $0xE200  }
0x75: {  	[tilespmem:s22], [sflag:$0x2] =	stream.indirect_vreg.gather [hbm4b:s5+s3], $0x80, v3, vm0, $0xb8;
	[tilespmem:$0x18200] =	vst v63  }
0x76: {  	s23 =	simm.s32 $0xEA00  }
0x77: {  	[tilespmem:s23], [sflag:$0x2] =	stream.indirect_vreg.gather [hbm4b:s6+s3], $0x80, v3, vm0, $0xb8;
	[tilespmem:$0x18200] =	vst v63  }
0x78: {  	v3 =	vld [tilespmem:$0x50];
	_ =	sdelay $0x4  }
0x79: {  	v37 =	vshrl.u32 v3, $0x3  }
0x7a: {  	v4 =	vmul.u32 $0x30, v37  }
0x7b: {  	v3 =	vand.u32 $0x7, v3  }
0x7c: {  	v3 =	vor.u32 v3, v4  }
0x7d: {  	v4 =	vperm.xlane v3, v0;
	_ =	sdelay $0x1  }
0x7e: {  	v4 =	vadd.s32 v1, v4;
	_ =	sdelay $0x3  }
0x7f: {  	s24 =	simm.s32 $0xF200;
	v3 =	vperm.xlane v3, v2  }
0x80: {  	[tilespmem:s24], [sflag:$0x2] =	stream.indirect_vreg.gather [hbm4b:s2+s3], $0x80, v4, vm0, $0xb8;
	[tilespmem:$0x18200] =	vst v63  }
0x81: {  	s25 =	simm.s32 $0xFA00;
	v3 =	vadd.s32 v1, v3  }
0x82: {  	[tilespmem:s25], [sflag:$0x2] =	stream.indirect_vreg.gather [hbm4b:s5+s3], $0x80, v4, vm0, $0xb8;
	[tilespmem:$0x18200] =	vst v63  }
0x83: {  	s28 =	simm.s32 $0x10200  }
0x84: {  	[tilespmem:s28], [sflag:$0x2] =	stream.indirect_vreg.gather [hbm4b:s6+s3], $0x80, v4, vm0, $0xb8;
	[tilespmem:$0x18200] =	vst v63  }
0x85: {  	s29 =	simm.s32 $0x10A00  }
0x86: {  	[tilespmem:s29], [sflag:$0x2] =	stream.indirect_vreg.gather [hbm4b:s2+s3], $0x80, v3, vm0, $0xb8;
	[tilespmem:$0x18200] =	vst v63  }
0x87: {  	s30 =	simm.s32 $0x11200  }
0x88: {  	[tilespmem:s30], [sflag:$0x2] =	stream.indirect_vreg.gather [hbm4b:s5+s3], $0x80, v3, vm0, $0xb8;
	[tilespmem:$0x18200] =	vst v63  }
0x89: {  	s1 =	simm.s32 $0x11A00  }
0x8a: {  	[tilespmem:s1], [sflag:$0x2] =	stream.indirect_vreg.gather [hbm4b:s6+s3], $0x80, v3, vm0, $0xb8;
	[tilespmem:$0x18200] =	vst v63  }
0x8b: {  	v3 =	vld [tilespmem:$0x60];
	_ =	sdelay $0x4  }
0x8c: {  	v38 =	vshrl.u32 v3, $0x3  }
0x8d: {  	v4 =	vmul.u32 $0x30, v38  }
0x8e: {  	v3 =	vand.u32 $0x7, v3  }
0x8f: {  	v3 =	vor.u32 v3, v4  }
0x90: {  	v4 =	vperm.xlane v3, v0;
	_ =	sdelay $0x1  }
0x91: {  	v4 =	vadd.s32 v1, v4;
	_ =	sdelay $0x3  }
0x92: {  	s4 =	simm.s32 $0x12200;
	v3 =	vperm.xlane v3, v2  }
0x93: {  	[tilespmem:s4], [sflag:$0x2] =	stream.indirect_vreg.gather [hbm4b:s2+s3], $0x80, v4, vm0, $0xb8;
	[tilespmem:$0x18200] =	vst v63  }
0x94: {  	s17 =	simm.s32 $0x12A00;
	v3 =	vadd.s32 v1, v3  }
0x95: {  	[tilespmem:s17], [sflag:$0x2] =	stream.indirect_vreg.gather [hbm4b:s5+s3], $0x80, v4, vm0, $0xb8;
	[tilespmem:$0x18200] =	vst v63  }
0x96: {  	s20 =	simm.s32 $0x13200  }
0x97: {  	[tilespmem:s20], [sflag:$0x2] =	stream.indirect_vreg.gather [hbm4b:s6+s3], $0x80, v4, vm0, $0xb8;
	[tilespmem:$0x18200] =	vst v63  }
0x98: {  	s21 =	simm.s32 $0x13A00  }
0x99: {  	[tilespmem:s21], [sflag:$0x2] =	stream.indirect_vreg.gather [hbm4b:s2+s3], $0x80, v3, vm0, $0xb8;
	[tilespmem:$0x18200] =	vst v63  }
0x9a: {  	s22 =	simm.s32 $0x14200  }
0x9b: {  	[tilespmem:s22], [sflag:$0x2] =	stream.indirect_vreg.gather [hbm4b:s5+s3], $0x80, v3, vm0, $0xb8;
	[tilespmem:$0x18200] =	vst v63  }
0x9c: {  	s23 =	simm.s32 $0x14A00  }
0x9d: {  	[tilespmem:s23], [sflag:$0x2] =	stream.indirect_vreg.gather [hbm4b:s6+s3], $0x80, v3, vm0, $0xb8;
	[tilespmem:$0x18200] =	vst v63  }
0x9e: {  	v3 =	vld [tilespmem:$0x70];
	_ =	sdelay $0x4  }
0x9f: {  	v39 =	vshrl.u32 v3, $0x3  }
0xa0: {  	v4 =	vmul.u32 $0x30, v39  }
0xa1: {  	v3 =	vand.u32 $0x7, v3  }
0xa2: {  	v3 =	vor.u32 v3, v4  }
0xa3: {  	v4 =	vperm.xlane v3, v0;
	_ =	sdelay $0x1  }
0xa4: {  	v4 =	vadd.s32 v1, v4;
	_ =	sdelay $0x3  }
0xa5: {  	s24 =	simm.s32 $0x15200;
	v3 =	vperm.xlane v3, v2  }
0xa6: {  	[tilespmem:s24], [sflag:$0x2] =	stream.indirect_vreg.gather [hbm4b:s2+s3], $0x80, v4, vm0, $0xb8;
	[tilespmem:$0x18200] =	vst v63  }
0xa7: {  	s25 =	simm.s32 $0x15A00;
	v3 =	vadd.s32 v1, v3  }
0xa8: {  	[tilespmem:s25], [sflag:$0x2] =	stream.indirect_vreg.gather [hbm4b:s5+s3], $0x80, v4, vm0, $0xb8;
	[tilespmem:$0x18200] =	vst v63  }
0xa9: {  	s28 =	simm.s32 $0x16200  }
0xaa: {  	[tilespmem:s28], [sflag:$0x2] =	stream.indirect_vreg.gather [hbm4b:s6+s3], $0x80, v4, vm0, $0xb8;
	[tilespmem:$0x18200] =	vst v63  }
0xab: {  	s29 =	simm.s32 $0x16A00  }
0xac: {  	[tilespmem:s29], [sflag:$0x2] =	stream.indirect_vreg.gather [hbm4b:s2+s3], $0x80, v3, vm0, $0xb8;
	[tilespmem:$0x18200] =	vst v63  }
0xad: {  	s30 =	simm.s32 $0x17200  }
0xae: {  	[tilespmem:s30], [sflag:$0x2] =	stream.indirect_vreg.gather [hbm4b:s5+s3], $0x80, v3, vm0, $0xb8;
	[tilespmem:$0x18200] =	vst v63  }
0xaf: {  	s1 =	simm.s32 $0x17A00  }
0xb0: {  	[tilespmem:s1], [sflag:$0x2] =	stream.indirect_vreg.gather [hbm4b:s6+s3], $0x80, v3, vm0, $0xb8;
	[tilespmem:$0x18200] =	vst v63  }
0xb1: {  	_ =	swait.ge [sflag:s0], $0xC000  }
0xb2: {  	[sflag:s0] =	ssyncset.done $0x0  }
0xb3: {  	s4 =	rddreg [dreg:$0xd];
	[sflag:s0] =	ssyncadd.s32 $0xFFFF4000  }
0xb4: {  	[hbm4b:s4+s3] =	stream.linear.scatter [tilespmem:s8], [sflag:$0x3], $0xC000, $0x38;
	[tilespmem:$0x18200] =	vst v63  }
0xb5: {  	_ =	swait.ge [sflag:s9], $0xC000  }
0xb6: {  	[sflag:s9] =	ssyncset.done $0x0  }
0xb7: {  	[sflag:s9] =	ssyncadd.s32 $0xFFFF4000  }
0xb8: {  	v3 =	vld [tilespmem:$0x80];
	_ =	sdelay $0x4  }
0xb9: {  	v40 =	vshrl.u32 v3, $0x3  }
0xba: {  	v4 =	vmul.u32 $0x30, v40  }
0xbb: {  	v3 =	vand.u32 $0x7, v3  }
0xbc: {  	v3 =	vor.u32 v3, v4  }
0xbd: {  	v4 =	vperm.xlane v3, v0;
	_ =	sdelay $0x1  }
0xbe: {  	v4 =	vadd.s32 v1, v4;
	_ =	sdelay $0x3  }
0xbf: {  	v3 =	vperm.xlane v3, v2  }
0xc0: {  	[tilespmem:s8], [sflag:$0x1] =	stream.indirect_vreg.gather [hbm4b:s2+s3], $0x80, v4, vm0, $0xb8;
	[tilespmem:$0x18200] =	vst v63  }
0xc1: {  	s1 =	simm.s32 $0xA00;
	v3 =	vadd.s32 v1, v3  }
0xc2: {  	[tilespmem:s1], [sflag:$0x1] =	stream.indirect_vreg.gather [hbm4b:s5+s3], $0x80, v4, vm0, $0xb8;
	[tilespmem:$0x18200] =	vst v63  }
0xc3: {  	s4 =	simm.s32 $0x1200  }
0xc4: {  	[tilespmem:s4], [sflag:$0x1] =	stream.indirect_vreg.gather [hbm4b:s6+s3], $0x80, v4, vm0, $0xb8;
	[tilespmem:$0x18200] =	vst v63  }
0xc5: {  	s20 =	simm.s32 $0x1A00  }
0xc6: {  	[tilespmem:s20], [sflag:$0x1] =	stream.indirect_vreg.gather [hbm4b:s2+s3], $0x80, v3, vm0, $0xb8;
	[tilespmem:$0x18200] =	vst v63  }
0xc7: {  	s21 =	simm.s32 $0x2200  }
0xc8: {  	[tilespmem:s21], [sflag:$0x1] =	stream.indirect_vreg.gather [hbm4b:s5+s3], $0x80, v3, vm0, $0xb8;
	[tilespmem:$0x18200] =	vst v63  }
0xc9: {  	s14 =	simm.s32 $0x2A00  }
0xca: {  	[tilespmem:s14], [sflag:$0x1] =	stream.indirect_vreg.gather [hbm4b:s6+s3], $0x80, v3, vm0, $0xb8;
	[tilespmem:$0x18200] =	vst v63  }
0xcb: {  	v3 =	vld [tilespmem:$0x90];
	_ =	sdelay $0x4  }
0xcc: {  	v41 =	vshrl.u32 v3, $0x3  }
0xcd: {  	v4 =	vmul.u32 $0x30, v41  }
0xce: {  	v3 =	vand.u32 $0x7, v3  }
0xcf: {  	v3 =	vor.u32 v3, v4  }
0xd0: {  	v4 =	vperm.xlane v3, v0;
	_ =	sdelay $0x1  }
0xd1: {  	v4 =	vadd.s32 v1, v4;
	_ =	sdelay $0x3  }
0xd2: {  	s15 =	simm.s32 $0x3200;
	v3 =	vperm.xlane v3, v2  }
0xd3: {  	[tilespmem:s15], [sflag:$0x1] =	stream.indirect_vreg.gather [hbm4b:s2+s3], $0x80, v4, vm0, $0xb8;
	[tilespmem:$0x18200] =	vst v63  }
0xd4: {  	s22 =	simm.s32 $0x3A00;
	v3 =	vadd.s32 v1, v3  }
0xd5: {  	[tilespmem:s22], [sflag:$0x1] =	stream.indirect_vreg.gather [hbm4b:s5+s3], $0x80, v4, vm0, $0xb8;
	[tilespmem:$0x18200] =	vst v63  }
0xd6: {  	s23 =	simm.s32 $0x4200  }
0xd7: {  	[tilespmem:s23], [sflag:$0x1] =	stream.indirect_vreg.gather [hbm4b:s6+s3], $0x80, v4, vm0, $0xb8;
	[tilespmem:$0x18200] =	vst v63  }
0xd8: {  	s24 =	simm.s32 $0x4A00  }
0xd9: {  	[tilespmem:s24], [sflag:$0x1] =	stream.indirect_vreg.gather [hbm4b:s2+s3], $0x80, v3, vm0, $0xb8;
	[tilespmem:$0x18200] =	vst v63  }
0xda: {  	s25 =	simm.s32 $0x5200  }
0xdb: {  	[tilespmem:s25], [sflag:$0x1] =	stream.indirect_vreg.gather [hbm4b:s5+s3], $0x80, v3, vm0, $0xb8;
	[tilespmem:$0x18200] =	vst v63  }
0xdc: {  	s16 =	simm.s32 $0x5A00  }
0xdd: {  	[tilespmem:s16], [sflag:$0x1] =	stream.indirect_vreg.gather [hbm4b:s6+s3], $0x80, v3, vm0, $0xb8;
	[tilespmem:$0x18200] =	vst v63  }
0xde: {  	v3 =	vld [tilespmem:$0xA0];
	_ =	sdelay $0x4  }
0xdf: {  	v42 =	vshrl.u32 v3, $0x3  }
0xe0: {  	v4 =	vmul.u32 $0x30, v42  }
0xe1: {  	v3 =	vand.u32 $0x7, v3  }
0xe2: {  	v3 =	vor.u32 v3, v4  }
0xe3: {  	v4 =	vperm.xlane v3, v0;
	_ =	sdelay $0x1  }
0xe4: {  	v4 =	vadd.s32 v1, v4;
	_ =	sdelay $0x3  }
0xe5: {  	s26 =	simm.s32 $0x6200;
	v3 =	vperm.xlane v3, v2  }
0xe6: {  	[tilespmem:s26], [sflag:$0x1] =	stream.indirect_vreg.gather [hbm4b:s2+s3], $0x80, v4, vm0, $0xb8;
	[tilespmem:$0x18200] =	vst v63  }
0xe7: {  	v3 =	vadd.s32 v1, v3;
	s26 =	simm.s32 $0x6A00  }
0xe8: {  	[tilespmem:s26], [sflag:$0x1] =	stream.indirect_vreg.gather [hbm4b:s5+s3], $0x80, v4, vm0, $0xb8;
	[tilespmem:$0x18200] =	vst v63  }
0xe9: {  	s28 =	simm.s32 $0x7200  }
0xea: {  	[tilespmem:s28], [sflag:$0x1] =	stream.indirect_vreg.gather [hbm4b:s6+s3], $0x80, v4, vm0, $0xb8;
	[tilespmem:$0x18200] =	vst v63  }
0xeb: {  	s29 =	simm.s32 $0x7A00  }
0xec: {  	[tilespmem:s29], [sflag:$0x1] =	stream.indirect_vreg.gather [hbm4b:s2+s3], $0x80, v3, vm0, $0xb8;
	[tilespmem:$0x18200] =	vst v63  }
0xed: {  	s30 =	simm.s32 $0x8200  }
0xee: {  	[tilespmem:s30], [sflag:$0x1] =	stream.indirect_vreg.gather [hbm4b:s5+s3], $0x80, v3, vm0, $0xb8;
	[tilespmem:$0x18200] =	vst v63  }
0xef: {  	s31 =	simm.s32 $0x8A00  }
0xf0: {  	[tilespmem:s31], [sflag:$0x1] =	stream.indirect_vreg.gather [hbm4b:s6+s3], $0x80, v3, vm0, $0xb8;
	[tilespmem:$0x18200] =	vst v63  }
0xf1: {  	v3 =	vld [tilespmem:$0xB0];
	_ =	sdelay $0x4  }
0xf2: {  	v43 =	vshrl.u32 v3, $0x3  }
0xf3: {  	v4 =	vmul.u32 $0x30, v43  }
0xf4: {  	v3 =	vand.u32 $0x7, v3  }
0xf5: {  	v3 =	vor.u32 v3, v4  }
0xf6: {  	v4 =	vperm.xlane v3, v0;
	_ =	sdelay $0x1  }
0xf7: {  	v4 =	vadd.s32 v1, v4;
	_ =	sdelay $0x3  }
0xf8: {  	s17 =	simm.s32 $0x9200;
	v3 =	vperm.xlane v3, v2  }
0xf9: {  	[tilespmem:s17], [sflag:$0x1] =	stream.indirect_vreg.gather [hbm4b:s2+s3], $0x80, v4, vm0, $0xb8;
	[tilespmem:$0x18200] =	vst v63  }
0xfa: {  	s31 =	simm.s32 $0x9A00;
	v3 =	vadd.s32 v1, v3  }
0xfb: {  	[tilespmem:s31], [sflag:$0x1] =	stream.indirect_vreg.gather [hbm4b:s5+s3], $0x80, v4, vm0, $0xb8;
	[tilespmem:$0x18200] =	vst v63  }
0xfc: {  	s14 =	simm.s32 $0xA200  }
0xfd: {  	[tilespmem:s14], [sflag:$0x1] =	stream.indirect_vreg.gather [hbm4b:s6+s3], $0x80, v4, vm0, $0xb8;
	[tilespmem:$0x18200] =	vst v63  }
0xfe: {  	s15 =	simm.s32 $0xAA00  }
0xff: {  	[tilespmem:s15], [sflag:$0x1] =	stream.indirect_vreg.gather [hbm4b:s2+s3], $0x80, v3, vm0, $0xb8;
	[tilespmem:$0x18200] =	vst v63  }
0x100: {  	s16 =	simm.s32 $0xB200  }
0x101: {  	[tilespmem:s16], [sflag:$0x1] =	stream.indirect_vreg.gather [hbm4b:s5+s3], $0x80, v3, vm0, $0xb8;
	[tilespmem:$0x18200] =	vst v63  }
0x102: {  	s13 =	simm.s32 $0xBA00  }
0x103: {  	[tilespmem:s13], [sflag:$0x1] =	stream.indirect_vreg.gather [hbm4b:s6+s3], $0x80, v3, vm0, $0xb8;
	[tilespmem:$0x18200] =	vst v63  }
0x104: {  	_ =	swait.ge [sflag:s10], $0xC000  }
0x105: {  	[sflag:s10] =	ssyncset.done $0x0  }
0x106: {  	s13 =	rddreg [dreg:$0x5];
	[sflag:s10] =	ssyncadd.s32 $0xFFFF4000  }
0x107: {  	[hbm4b:s13+s3] =	stream.linear.scatter [tilespmem:s18], [sflag:$0x4], $0xC000, $0x38;
	[tilespmem:$0x18200] =	vst v63  }
0x108: {  	_ =	swait.ge [sflag:s11], $0xC000  }
0x109: {  	[sflag:s11] =	ssyncset.done $0x0  }
0x10a: {  	[sflag:s11] =	ssyncadd.s32 $0xFFFF4000  }
0x10b: {  	v3 =	vld [tilespmem:$0xC0];
	_ =	sdelay $0x4  }
0x10c: {  	v44 =	vshrl.u32 v3, $0x3  }
0x10d: {  	v4 =	vmul.u32 $0x30, v44  }
0x10e: {  	v3 =	vand.u32 $0x7, v3  }
0x10f: {  	v3 =	vor.u32 v3, v4  }
0x110: {  	v4 =	vperm.xlane v3, v0;
	_ =	sdelay $0x1  }
0x111: {  	v4 =	vadd.s32 v1, v4;
	_ =	sdelay $0x3  }
0x112: {  	v3 =	vperm.xlane v3, v2  }
0x113: {  	[tilespmem:s18], [sflag:$0x2] =	stream.indirect_vreg.gather [hbm4b:s2+s3], $0x80, v4, vm0, $0xb8;
	[tilespmem:$0x18200] =	vst v63  }
0x114: {  	s13 =	simm.s32 $0xCA00;
	v3 =	vadd.s32 v1, v3  }
0x115: {  	[tilespmem:s13], [sflag:$0x2] =	stream.indirect_vreg.gather [hbm4b:s5+s3], $0x80, v4, vm0, $0xb8;
	[tilespmem:$0x18200] =	vst v63  }
0x116: {  	s13 =	simm.s32 $0xD200  }
0x117: {  	[tilespmem:s13], [sflag:$0x2] =	stream.indirect_vreg.gather [hbm4b:s6+s3], $0x80, v4, vm0, $0xb8;
	[tilespmem:$0x18200] =	vst v63  }
0x118: {  	s13 =	simm.s32 $0xDA00  }
0x119: {  	[tilespmem:s13], [sflag:$0x2] =	stream.indirect_vreg.gather [hbm4b:s2+s3], $0x80, v3, vm0, $0xb8;
	[tilespmem:$0x18200] =	vst v63  }
0x11a: {  	s13 =	simm.s32 $0xE200  }
0x11b: {  	[tilespmem:s13], [sflag:$0x2] =	stream.indirect_vreg.gather [hbm4b:s5+s3], $0x80, v3, vm0, $0xb8;
	[tilespmem:$0x18200] =	vst v63  }
0x11c: {  	s19 =	simm.s32 $0xEA00  }
0x11d: {  	[tilespmem:s19], [sflag:$0x2] =	stream.indirect_vreg.gather [hbm4b:s6+s3], $0x80, v3, vm0, $0xb8;
	[tilespmem:$0x18200] =	vst v63  }
0x11e: {  	v3 =	vld [tilespmem:$0xD0];
	_ =	sdelay $0x4  }
0x11f: {  	v45 =	vshrl.u32 v3, $0x3  }
0x120: {  	v4 =	vmul.u32 $0x30, v45  }
0x121: {  	v3 =	vand.u32 $0x7, v3  }
0x122: {  	v3 =	vor.u32 v3, v4  }
0x123: {  	v4 =	vperm.xlane v3, v0;
	_ =	sdelay $0x1  }
0x124: {  	v4 =	vadd.s32 v1, v4;
	_ =	sdelay $0x3  }
0x125: {  	s13 =	simm.s32 $0xF200;
	v3 =	vperm.xlane v3, v2  }
0x126: {  	[tilespmem:s13], [sflag:$0x2] =	stream.indirect_vreg.gather [hbm4b:s2+s3], $0x80, v4, vm0, $0xb8;
	[tilespmem:$0x18200] =	vst v63  }
0x127: {  	s19 =	simm.s32 $0xFA00;
	v3 =	vadd.s32 v1, v3  }
0x128: {  	[tilespmem:s19], [sflag:$0x2] =	stream.indirect_vreg.gather [hbm4b:s5+s3], $0x80, v4, vm0, $0xb8;
	[tilespmem:$0x18200] =	vst v63  }
0x129: {  	s13 =	simm.s32 $0x10200  }
0x12a: {  	[tilespmem:s13], [sflag:$0x2] =	stream.indirect_vreg.gather [hbm4b:s6+s3], $0x80, v4, vm0, $0xb8;
	[tilespmem:$0x18200] =	vst v63  }
0x12b: {  	s19 =	simm.s32 $0x10A00  }
0x12c: {  	[tilespmem:s19], [sflag:$0x2] =	stream.indirect_vreg.gather [hbm4b:s2+s3], $0x80, v3, vm0, $0xb8;
	[tilespmem:$0x18200] =	vst v63  }
0x12d: {  	s13 =	simm.s32 $0x11200  }
0x12e: {  	[tilespmem:s13], [sflag:$0x2] =	stream.indirect_vreg.gather [hbm4b:s5+s3], $0x80, v3, vm0, $0xb8;
	[tilespmem:$0x18200] =	vst v63  }
0x12f: {  	s19 =	simm.s32 $0x11A00  }
0x130: {  	[tilespmem:s19], [sflag:$0x2] =	stream.indirect_vreg.gather [hbm4b:s6+s3], $0x80, v3, vm0, $0xb8;
	[tilespmem:$0x18200] =	vst v63  }
0x131: {  	v3 =	vld [tilespmem:$0xE0];
	_ =	sdelay $0x4  }
0x132: {  	v46 =	vshrl.u32 v3, $0x3  }
0x133: {  	v4 =	vmul.u32 $0x30, v46  }
0x134: {  	v3 =	vand.u32 $0x7, v3  }
0x135: {  	v3 =	vor.u32 v3, v4  }
0x136: {  	v4 =	vperm.xlane v3, v0;
	_ =	sdelay $0x1  }
0x137: {  	v4 =	vadd.s32 v1, v4;
	_ =	sdelay $0x3  }
0x138: {  	s13 =	simm.s32 $0x12200;
	v3 =	vperm.xlane v3, v2  }
0x139: {  	[tilespmem:s13], [sflag:$0x2] =	stream.indirect_vreg.gather [hbm4b:s2+s3], $0x80, v4, vm0, $0xb8;
	[tilespmem:$0x18200] =	vst v63  }
0x13a: {  	s19 =	simm.s32 $0x12A00;
	v3 =	vadd.s32 v1, v3  }
0x13b: {  	[tilespmem:s19], [sflag:$0x2] =	stream.indirect_vreg.gather [hbm4b:s5+s3], $0x80, v4, vm0, $0xb8;
	[tilespmem:$0x18200] =	vst v63  }
0x13c: {  	s13 =	simm.s32 $0x13200  }
0x13d: {  	[tilespmem:s13], [sflag:$0x2] =	stream.indirect_vreg.gather [hbm4b:s6+s3], $0x80, v4, vm0, $0xb8;
	[tilespmem:$0x18200] =	vst v63  }
0x13e: {  	s19 =	simm.s32 $0x13A00  }
0x13f: {  	[tilespmem:s19], [sflag:$0x2] =	stream.indirect_vreg.gather [hbm4b:s2+s3], $0x80, v3, vm0, $0xb8;
	[tilespmem:$0x18200] =	vst v63  }
0x140: {  	s13 =	simm.s32 $0x14200  }
0x141: {  	[tilespmem:s13], [sflag:$0x2] =	stream.indirect_vreg.gather [hbm4b:s5+s3], $0x80, v3, vm0, $0xb8;
	[tilespmem:$0x18200] =	vst v63  }
0x142: {  	s19 =	simm.s32 $0x14A00  }
0x143: {  	[tilespmem:s19], [sflag:$0x2] =	stream.indirect_vreg.gather [hbm4b:s6+s3], $0x80, v3, vm0, $0xb8;
	[tilespmem:$0x18200] =	vst v63  }
0x144: {  	v3 =	vld [tilespmem:$0xF0];
	_ =	sdelay $0x4  }
0x145: {  	v47 =	vshrl.u32 v3, $0x3  }
0x146: {  	v4 =	vmul.u32 $0x30, v47  }
0x147: {  	v3 =	vand.u32 $0x7, v3  }
0x148: {  	v3 =	vor.u32 v3, v4  }
0x149: {  	v4 =	vperm.xlane v3, v0;
	_ =	sdelay $0x1  }
0x14a: {  	v4 =	vadd.s32 v1, v4;
	_ =	sdelay $0x3  }
0x14b: {  	s13 =	simm.s32 $0x15200;
	v3 =	vperm.xlane v3, v2  }
0x14c: {  	[tilespmem:s13], [sflag:$0x2] =	stream.indirect_vreg.gather [hbm4b:s2+s3], $0x80, v4, vm0, $0xb8;
	[tilespmem:$0x18200] =	vst v63  }
0x14d: {  	s19 =	simm.s32 $0x15A00;
	v3 =	vadd.s32 v1, v3  }
0x14e: {  	[tilespmem:s19], [sflag:$0x2] =	stream.indirect_vreg.gather [hbm4b:s5+s3], $0x80, v4, vm0, $0xb8;
	[tilespmem:$0x18200] =	vst v63  }
0x14f: {  	s13 =	simm.s32 $0x16200  }
0x150: {  	[tilespmem:s13], [sflag:$0x2] =	stream.indirect_vreg.gather [hbm4b:s6+s3], $0x80, v4, vm0, $0xb8;
	[tilespmem:$0x18200] =	vst v63  }
0x151: {  	s19 =	simm.s32 $0x16A00  }
0x152: {  	[tilespmem:s19], [sflag:$0x2] =	stream.indirect_vreg.gather [hbm4b:s2+s3], $0x80, v3, vm0, $0xb8;
	[tilespmem:$0x18200] =	vst v63  }
0x153: {  	s13 =	simm.s32 $0x17200  }
0x154: {  	[tilespmem:s13], [sflag:$0x2] =	stream.indirect_vreg.gather [hbm4b:s5+s3], $0x80, v3, vm0, $0xb8;
	[tilespmem:$0x18200] =	vst v63  }
0x155: {  	s19 =	simm.s32 $0x17A00  }
0x156: {  	[tilespmem:s19], [sflag:$0x2] =	stream.indirect_vreg.gather [hbm4b:s6+s3], $0x80, v3, vm0, $0xb8;
	[tilespmem:$0x18200] =	vst v63  }
0x157: {  	_ =	swait.ge [sflag:s0], $0xC000  }
0x158: {  	[sflag:s0] =	ssyncset.done $0x0  }
0x159: {  	s13 =	rddreg [dreg:$0x6];
	[sflag:s0] =	ssyncadd.s32 $0xFFFF4000  }
0x15a: {  	[hbm4b:s13+s3] =	stream.linear.scatter [tilespmem:s8], [sflag:$0x3], $0xC000, $0x38;
	[tilespmem:$0x18200] =	vst v63  }
0x15b: {  	_ =	swait.ge [sflag:s9], $0xC000  }
0x15c: {  	[sflag:s9] =	ssyncset.done $0x0  }
0x15d: {  	[sflag:s9] =	ssyncadd.s32 $0xFFFF4000  }
0x15e: {  	v3 =	vld [tilespmem:$0x100];
	_ =	sdelay $0x4  }
0x15f: {  	v48 =	vshrl.u32 v3, $0x3  }
0x160: {  	v4 =	vmul.u32 $0x30, v48  }
0x161: {  	v3 =	vand.u32 $0x7, v3  }
0x162: {  	v3 =	vor.u32 v3, v4  }
0x163: {  	v4 =	vperm.xlane v3, v0;
	_ =	sdelay $0x1  }
0x164: {  	v4 =	vadd.s32 v1, v4;
	_ =	sdelay $0x3  }
0x165: {  	v3 =	vperm.xlane v3, v2  }
0x166: {  	[tilespmem:s8], [sflag:$0x1] =	stream.indirect_vreg.gather [hbm4b:s2+s3], $0x80, v4, vm0, $0xb8;
	[tilespmem:$0x18200] =	vst v63  }
0x167: {  	v3 =	vadd.s32 v1, v3  }
0x168: {  	[tilespmem:s1], [sflag:$0x1] =	stream.indirect_vreg.gather [hbm4b:s5+s3], $0x80, v4, vm0, $0xb8;
	[tilespmem:$0x18200] =	vst v63  }
0x169: {  	_ = 	snop  }
0x16a: {  	[tilespmem:s4], [sflag:$0x1] =	stream.indirect_vreg.gather [hbm4b:s6+s3], $0x80, v4, vm0, $0xb8;
	[tilespmem:$0x18200] =	vst v63  }
0x16b: {  	_ = 	snop  }
0x16c: {  	[tilespmem:s20], [sflag:$0x1] =	stream.indirect_vreg.gather [hbm4b:s2+s3], $0x80, v3, vm0, $0xb8;
	[tilespmem:$0x18200] =	vst v63  }
0x16d: {  	_ = 	snop  }
0x16e: {  	[tilespmem:s21], [sflag:$0x1] =	stream.indirect_vreg.gather [hbm4b:s5+s3], $0x80, v3, vm0, $0xb8;
	[tilespmem:$0x18200] =	vst v63  }
0x16f: {  	s19 =	simm.s32 $0x2A00  }
0x170: {  	[tilespmem:s19], [sflag:$0x1] =	stream.indirect_vreg.gather [hbm4b:s6+s3], $0x80, v3, vm0, $0xb8;
	[tilespmem:$0x18200] =	vst v63  }
0x171: {  	v3 =	vld [tilespmem:$0x110];
	_ =	sdelay $0x4  }
0x172: {  	v49 =	vshrl.u32 v3, $0x3  }
0x173: {  	v4 =	vmul.u32 $0x30, v49  }
0x174: {  	v3 =	vand.u32 $0x7, v3  }
0x175: {  	v3 =	vor.u32 v3, v4  }
0x176: {  	v4 =	vperm.xlane v3, v0;
	_ =	sdelay $0x1  }
0x177: {  	v4 =	vadd.s32 v1, v4;
	_ =	sdelay $0x3  }
0x178: {  	s21 =	simm.s32 $0x3200;
	v3 =	vperm.xlane v3, v2  }
0x179: {  	[tilespmem:s21], [sflag:$0x1] =	stream.indirect_vreg.gather [hbm4b:s2+s3], $0x80, v4, vm0, $0xb8;
	[tilespmem:$0x18200] =	vst v63  }
0x17a: {  	v3 =	vadd.s32 v1, v3  }
0x17b: {  	[tilespmem:s22], [sflag:$0x1] =	stream.indirect_vreg.gather [hbm4b:s5+s3], $0x80, v4, vm0, $0xb8;
	[tilespmem:$0x18200] =	vst v63  }
0x17c: {  	_ = 	snop  }
0x17d: {  	[tilespmem:s23], [sflag:$0x1] =	stream.indirect_vreg.gather [hbm4b:s6+s3], $0x80, v4, vm0, $0xb8;
	[tilespmem:$0x18200] =	vst v63  }
0x17e: {  	_ = 	snop  }
0x17f: {  	[tilespmem:s24], [sflag:$0x1] =	stream.indirect_vreg.gather [hbm4b:s2+s3], $0x80, v3, vm0, $0xb8;
	[tilespmem:$0x18200] =	vst v63  }
0x180: {  	_ = 	snop  }
0x181: {  	[tilespmem:s25], [sflag:$0x1] =	stream.indirect_vreg.gather [hbm4b:s5+s3], $0x80, v3, vm0, $0xb8;
	[tilespmem:$0x18200] =	vst v63  }
0x182: {  	s19 =	simm.s32 $0x5A00  }
0x183: {  	[tilespmem:s19], [sflag:$0x1] =	stream.indirect_vreg.gather [hbm4b:s6+s3], $0x80, v3, vm0, $0xb8;
	[tilespmem:$0x18200] =	vst v63  }
0x184: {  	v3 =	vld [tilespmem:$0x120];
	_ =	sdelay $0x4  }
0x185: {  	v50 =	vshrl.u32 v3, $0x3  }
0x186: {  	v4 =	vmul.u32 $0x30, v50  }
0x187: {  	v3 =	vand.u32 $0x7, v3  }
0x188: {  	v3 =	vor.u32 v3, v4  }
0x189: {  	v4 =	vperm.xlane v3, v0;
	_ =	sdelay $0x1  }
0x18a: {  	v4 =	vadd.s32 v1, v4;
	_ =	sdelay $0x3  }
0x18b: {  	s25 =	simm.s32 $0x6200;
	v3 =	vperm.xlane v3, v2  }
0x18c: {  	[tilespmem:s25], [sflag:$0x1] =	stream.indirect_vreg.gather [hbm4b:s2+s3], $0x80, v4, vm0, $0xb8;
	[tilespmem:$0x18200] =	vst v63  }
0x18d: {  	v3 =	vadd.s32 v1, v3  }
0x18e: {  	[tilespmem:s26], [sflag:$0x1] =	stream.indirect_vreg.gather [hbm4b:s5+s3], $0x80, v4, vm0, $0xb8;
	[tilespmem:$0x18200] =	vst v63  }
0x18f: {  	_ = 	snop  }
0x190: {  	[tilespmem:s28], [sflag:$0x1] =	stream.indirect_vreg.gather [hbm4b:s6+s3], $0x80, v4, vm0, $0xb8;
	[tilespmem:$0x18200] =	vst v63  }
0x191: {  	_ = 	snop  }
0x192: {  	[tilespmem:s29], [sflag:$0x1] =	stream.indirect_vreg.gather [hbm4b:s2+s3], $0x80, v3, vm0, $0xb8;
	[tilespmem:$0x18200] =	vst v63  }
0x193: {  	_ = 	snop  }
0x194: {  	[tilespmem:s30], [sflag:$0x1] =	stream.indirect_vreg.gather [hbm4b:s5+s3], $0x80, v3, vm0, $0xb8;
	[tilespmem:$0x18200] =	vst v63  }
0x195: {  	s30 =	simm.s32 $0x8A00  }
0x196: {  	[tilespmem:s30], [sflag:$0x1] =	stream.indirect_vreg.gather [hbm4b:s6+s3], $0x80, v3, vm0, $0xb8;
	[tilespmem:$0x18200] =	vst v63  }
0x197: {  	v3 =	vld [tilespmem:$0x130];
	_ =	sdelay $0x4  }
0x198: {  	v51 =	vshrl.u32 v3, $0x3  }
0x199: {  	v4 =	vmul.u32 $0x30, v51  }
0x19a: {  	v3 =	vand.u32 $0x7, v3  }
0x19b: {  	v3 =	vor.u32 v3, v4  }
0x19c: {  	v4 =	vperm.xlane v3, v0;
	_ =	sdelay $0x1  }
0x19d: {  	v4 =	vadd.s32 v1, v4;
	_ =	sdelay $0x3  }
0x19e: {  	v3 =	vperm.xlane v3, v2  }
0x19f: {  	[tilespmem:s17], [sflag:$0x1] =	stream.indirect_vreg.gather [hbm4b:s2+s3], $0x80, v4, vm0, $0xb8;
	[tilespmem:$0x18200] =	vst v63  }
0x1a0: {  	v3 =	vadd.s32 v1, v3  }
0x1a1: {  	[tilespmem:s31], [sflag:$0x1] =	stream.indirect_vreg.gather [hbm4b:s5+s3], $0x80, v4, vm0, $0xb8;
	[tilespmem:$0x18200] =	vst v63  }
0x1a2: {  	_ = 	snop  }
0x1a3: {  	[tilespmem:s14], [sflag:$0x1] =	stream.indirect_vreg.gather [hbm4b:s6+s3], $0x80, v4, vm0, $0xb8;
	[tilespmem:$0x18200] =	vst v63  }
0x1a4: {  	_ = 	snop  }
0x1a5: {  	[tilespmem:s15], [sflag:$0x1] =	stream.indirect_vreg.gather [hbm4b:s2+s3], $0x80, v3, vm0, $0xb8;
	[tilespmem:$0x18200] =	vst v63  }
0x1a6: {  	_ = 	snop  }
0x1a7: {  	[tilespmem:s16], [sflag:$0x1] =	stream.indirect_vreg.gather [hbm4b:s5+s3], $0x80, v3, vm0, $0xb8;
	[tilespmem:$0x18200] =	vst v63  }
0x1a8: {  	s31 =	simm.s32 $0xBA00  }
0x1a9: {  	[tilespmem:s31], [sflag:$0x1] =	stream.indirect_vreg.gather [hbm4b:s6+s3], $0x80, v3, vm0, $0xb8;
	[tilespmem:$0x18200] =	vst v63  }
0x1aa: {  	_ =	swait.ge [sflag:s10], $0xC000  }
0x1ab: {  	[sflag:s10] =	ssyncset.done $0x0  }
0x1ac: {  	s19 =	rddreg [dreg:$0x7];
	[sflag:s10] =	ssyncadd.s32 $0xFFFF4000  }
0x1ad: {  	[hbm4b:s19+s3] =	stream.linear.scatter [tilespmem:s18], [sflag:$0x4], $0xC000, $0x38;
	[tilespmem:$0x18200] =	vst v63  }
0x1ae: {  	_ =	swait.ge [sflag:s11], $0xC000  }
0x1af: {  	[sflag:s11] =	ssyncset.done $0x0  }
0x1b0: {  	[sflag:s11] =	ssyncadd.s32 $0xFFFF4000  }
0x1b1: {  	v3 =	vld [tilespmem:$0x140];
	_ =	sdelay $0x4  }
0x1b2: {  	v52 =	vshrl.u32 v3, $0x3  }
0x1b3: {  	v4 =	vmul.u32 $0x30, v52  }
0x1b4: {  	v3 =	vand.u32 $0x7, v3  }
0x1b5: {  	v3 =	vor.u32 v3, v4  }
0x1b6: {  	v4 =	vperm.xlane v3, v0;
	_ =	sdelay $0x1  }
0x1b7: {  	v4 =	vadd.s32 v1, v4;
	_ =	sdelay $0x3  }
0x1b8: {  	v3 =	vperm.xlane v3, v2  }
0x1b9: {  	[tilespmem:s18], [sflag:$0x2] =	stream.indirect_vreg.gather [hbm4b:s2+s3], $0x80, v4, vm0, $0xb8;
	[tilespmem:$0x18200] =	vst v63  }
0x1ba: {  	s31 =	simm.s32 $0xCA00;
	v3 =	vadd.s32 v1, v3  }
0x1bb: {  	[tilespmem:s31], [sflag:$0x2] =	stream.indirect_vreg.gather [hbm4b:s5+s3], $0x80, v4, vm0, $0xb8;
	[tilespmem:$0x18200] =	vst v63  }
0x1bc: {  	s19 =	simm.s32 $0xD200  }
0x1bd: {  	[tilespmem:s19], [sflag:$0x2] =	stream.indirect_vreg.gather [hbm4b:s6+s3], $0x80, v4, vm0, $0xb8;
	[tilespmem:$0x18200] =	vst v63  }
0x1be: {  	s12 =	simm.s32 $0xDA00  }
0x1bf: {  	[tilespmem:s12], [sflag:$0x2] =	stream.indirect_vreg.gather [hbm4b:s2+s3], $0x80, v3, vm0, $0xb8;
	[tilespmem:$0x18200] =	vst v63  }
0x1c0: {  	s12 =	simm.s32 $0xE200  }
0x1c1: {  	[tilespmem:s12], [sflag:$0x2] =	stream.indirect_vreg.gather [hbm4b:s5+s3], $0x80, v3, vm0, $0xb8;
	[tilespmem:$0x18200] =	vst v63  }
0x1c2: {  	s12 =	simm.s32 $0xEA00  }
0x1c3: {  	[tilespmem:s12], [sflag:$0x2] =	stream.indirect_vreg.gather [hbm4b:s6+s3], $0x80, v3, vm0, $0xb8;
	[tilespmem:$0x18200] =	vst v63  }
0x1c4: {  	v3 =	vld [tilespmem:$0x150];
	_ =	sdelay $0x4  }
0x1c5: {  	v53 =	vshrl.u32 v3, $0x3  }
0x1c6: {  	v4 =	vmul.u32 $0x30, v53  }
0x1c7: {  	v3 =	vand.u32 $0x7, v3  }
0x1c8: {  	v3 =	vor.u32 v3, v4  }
0x1c9: {  	v4 =	vperm.xlane v3, v0;
	_ =	sdelay $0x1  }
0x1ca: {  	v4 =	vadd.s32 v1, v4;
	_ =	sdelay $0x3  }
0x1cb: {  	s12 =	simm.s32 $0xF200;
	v3 =	vperm.xlane v3, v2  }
0x1cc: {  	[tilespmem:s12], [sflag:$0x2] =	stream.indirect_vreg.gather [hbm4b:s2+s3], $0x80, v4, vm0, $0xb8;
	[tilespmem:$0x18200] =	vst v63  }
0x1cd: {  	v3 =	vadd.s32 v1, v3;
	s12 =	simm.s32 $0xFA00  }
0x1ce: {  	[tilespmem:s12], [sflag:$0x2] =	stream.indirect_vreg.gather [hbm4b:s5+s3], $0x80, v4, vm0, $0xb8;
	[tilespmem:$0x18200] =	vst v63  }
0x1cf: {  	s12 =	simm.s32 $0x10200  }
0x1d0: {  	[tilespmem:s12], [sflag:$0x2] =	stream.indirect_vreg.gather [hbm4b:s6+s3], $0x80, v4, vm0, $0xb8;
	[tilespmem:$0x18200] =	vst v63  }
0x1d1: {  	s12 =	simm.s32 $0x10A00  }
0x1d2: {  	[tilespmem:s12], [sflag:$0x2] =	stream.indirect_vreg.gather [hbm4b:s2+s3], $0x80, v3, vm0, $0xb8;
	[tilespmem:$0x18200] =	vst v63  }
0x1d3: {  	s12 =	simm.s32 $0x11200  }
0x1d4: {  	[tilespmem:s12], [sflag:$0x2] =	stream.indirect_vreg.gather [hbm4b:s5+s3], $0x80, v3, vm0, $0xb8;
	[tilespmem:$0x18200] =	vst v63  }
0x1d5: {  	s12 =	simm.s32 $0x11A00  }
0x1d6: {  	[tilespmem:s12], [sflag:$0x2] =	stream.indirect_vreg.gather [hbm4b:s6+s3], $0x80, v3, vm0, $0xb8;
	[tilespmem:$0x18200] =	vst v63  }
0x1d7: {  	v3 =	vld [tilespmem:$0x160];
	_ =	sdelay $0x4  }
0x1d8: {  	v54 =	vshrl.u32 v3, $0x3  }
0x1d9: {  	v4 =	vmul.u32 $0x30, v54  }
0x1da: {  	v3 =	vand.u32 $0x7, v3  }
0x1db: {  	v3 =	vor.u32 v3, v4  }
0x1dc: {  	v4 =	vperm.xlane v3, v0;
	_ =	sdelay $0x1  }
0x1dd: {  	v4 =	vadd.s32 v1, v4;
	_ =	sdelay $0x3  }
0x1de: {  	s12 =	simm.s32 $0x12200;
	v3 =	vperm.xlane v3, v2  }
0x1df: {  	[tilespmem:s12], [sflag:$0x2] =	stream.indirect_vreg.gather [hbm4b:s2+s3], $0x80, v4, vm0, $0xb8;
	[tilespmem:$0x18200] =	vst v63  }
0x1e0: {  	v3 =	vadd.s32 v1, v3;
	s12 =	simm.s32 $0x12A00  }
0x1e1: {  	[tilespmem:s12], [sflag:$0x2] =	stream.indirect_vreg.gather [hbm4b:s5+s3], $0x80, v4, vm0, $0xb8;
	[tilespmem:$0x18200] =	vst v63  }
0x1e2: {  	s12 =	simm.s32 $0x13200  }
0x1e3: {  	[tilespmem:s12], [sflag:$0x2] =	stream.indirect_vreg.gather [hbm4b:s6+s3], $0x80, v4, vm0, $0xb8;
	[tilespmem:$0x18200] =	vst v63  }
0x1e4: {  	s12 =	simm.s32 $0x13A00  }
0x1e5: {  	[tilespmem:s12], [sflag:$0x2] =	stream.indirect_vreg.gather [hbm4b:s2+s3], $0x80, v3, vm0, $0xb8;
	[tilespmem:$0x18200] =	vst v63  }
0x1e6: {  	s12 =	simm.s32 $0x14200  }
0x1e7: {  	[tilespmem:s12], [sflag:$0x2] =	stream.indirect_vreg.gather [hbm4b:s5+s3], $0x80, v3, vm0, $0xb8;
	[tilespmem:$0x18200] =	vst v63  }
0x1e8: {  	s12 =	simm.s32 $0x14A00  }
0x1e9: {  	[tilespmem:s12], [sflag:$0x2] =	stream.indirect_vreg.gather [hbm4b:s6+s3], $0x80, v3, vm0, $0xb8;
	[tilespmem:$0x18200] =	vst v63  }
0x1ea: {  	v3 =	vld [tilespmem:$0x170];
	_ =	sdelay $0x4  }
0x1eb: {  	v55 =	vshrl.u32 v3, $0x3  }
0x1ec: {  	v4 =	vmul.u32 $0x30, v55  }
0x1ed: {  	v3 =	vand.u32 $0x7, v3  }
0x1ee: {  	v3 =	vor.u32 v3, v4  }
0x1ef: {  	v4 =	vperm.xlane v3, v0;
	_ =	sdelay $0x1  }
0x1f0: {  	v4 =	vadd.s32 v1, v4;
	_ =	sdelay $0x3  }
0x1f1: {  	s12 =	simm.s32 $0x15200;
	v3 =	vperm.xlane v3, v2  }
0x1f2: {  	[tilespmem:s12], [sflag:$0x2] =	stream.indirect_vreg.gather [hbm4b:s2+s3], $0x80, v4, vm0, $0xb8;
	[tilespmem:$0x18200] =	vst v63  }
0x1f3: {  	v3 =	vadd.s32 v1, v3;
	s12 =	simm.s32 $0x15A00  }
0x1f4: {  	[tilespmem:s12], [sflag:$0x2] =	stream.indirect_vreg.gather [hbm4b:s5+s3], $0x80, v4, vm0, $0xb8;
	[tilespmem:$0x18200] =	vst v63  }
0x1f5: {  	s12 =	simm.s32 $0x16200  }
0x1f6: {  	[tilespmem:s12], [sflag:$0x2] =	stream.indirect_vreg.gather [hbm4b:s6+s3], $0x80, v4, vm0, $0xb8;
	[tilespmem:$0x18200] =	vst v63  }
0x1f7: {  	s12 =	simm.s32 $0x16A00  }
0x1f8: {  	[tilespmem:s12], [sflag:$0x2] =	stream.indirect_vreg.gather [hbm4b:s2+s3], $0x80, v3, vm0, $0xb8;
	[tilespmem:$0x18200] =	vst v63  }
0x1f9: {  	s12 =	simm.s32 $0x17200  }
0x1fa: {  	[tilespmem:s12], [sflag:$0x2] =	stream.indirect_vreg.gather [hbm4b:s5+s3], $0x80, v3, vm0, $0xb8;
	[tilespmem:$0x18200] =	vst v63  }
0x1fb: {  	s12 =	simm.s32 $0x17A00  }
0x1fc: {  	[tilespmem:s12], [sflag:$0x2] =	stream.indirect_vreg.gather [hbm4b:s6+s3], $0x80, v3, vm0, $0xb8;
	[tilespmem:$0x18200] =	vst v63  }
0x1fd: {  	_ =	swait.ge [sflag:s0], $0xC000  }
0x1fe: {  	[sflag:s0] =	ssyncset.done $0x0  }
0x1ff: {  	s12 =	rddreg [dreg:$0x8];
	[sflag:s0] =	ssyncadd.s32 $0xFFFF4000  }
0x200: {  	[hbm4b:s12+s3] =	stream.linear.scatter [tilespmem:s8], [sflag:$0x3], $0xC000, $0x38;
	[tilespmem:$0x18200] =	vst v63  }
0x201: {  	_ =	swait.ge [sflag:s9], $0xC000  }
0x202: {  	[sflag:s9] =	ssyncset.done $0x0  }
0x203: {  	[sflag:s9] =	ssyncadd.s32 $0xFFFF4000  }
0x204: {  	v3 =	vld [tilespmem:$0x180];
	_ =	sdelay $0x4  }
0x205: {  	v56 =	vshrl.u32 v3, $0x3  }
0x206: {  	v4 =	vmul.u32 $0x30, v56  }
0x207: {  	v3 =	vand.u32 $0x7, v3  }
0x208: {  	v3 =	vor.u32 v3, v4  }
0x209: {  	v4 =	vperm.xlane v3, v0;
	_ =	sdelay $0x1  }
0x20a: {  	v4 =	vadd.s32 v1, v4;
	_ =	sdelay $0x3  }
0x20b: {  	v3 =	vperm.xlane v3, v2  }
0x20c: {  	[tilespmem:s8], [sflag:$0x1] =	stream.indirect_vreg.gather [hbm4b:s2+s3], $0x80, v4, vm0, $0xb8;
	[tilespmem:$0x18200] =	vst v63  }
0x20d: {  	s1 =	simm.s32 $0xA00;
	v3 =	vadd.s32 v1, v3  }
0x20e: {  	[tilespmem:s1], [sflag:$0x1] =	stream.indirect_vreg.gather [hbm4b:s5+s3], $0x80, v4, vm0, $0xb8;
	[tilespmem:$0x18200] =	vst v63  }
0x20f: {  	s4 =	simm.s32 $0x1200  }
0x210: {  	[tilespmem:s4], [sflag:$0x1] =	stream.indirect_vreg.gather [hbm4b:s6+s3], $0x80, v4, vm0, $0xb8;
	[tilespmem:$0x18200] =	vst v63  }
0x211: {  	s13 =	simm.s32 $0x1A00  }
0x212: {  	[tilespmem:s13], [sflag:$0x1] =	stream.indirect_vreg.gather [hbm4b:s2+s3], $0x80, v3, vm0, $0xb8;
	[tilespmem:$0x18200] =	vst v63  }
0x213: {  	s20 =	simm.s32 $0x2200  }
0x214: {  	[tilespmem:s20], [sflag:$0x1] =	stream.indirect_vreg.gather [hbm4b:s5+s3], $0x80, v3, vm0, $0xb8;
	[tilespmem:$0x18200] =	vst v63  }
0x215: {  	s13 =	simm.s32 $0x2A00  }
0x216: {  	[tilespmem:s13], [sflag:$0x1] =	stream.indirect_vreg.gather [hbm4b:s6+s3], $0x80, v3, vm0, $0xb8;
	[tilespmem:$0x18200] =	vst v63  }
0x217: {  	v3 =	vld [tilespmem:$0x190];
	_ =	sdelay $0x4  }
0x218: {  	v57 =	vshrl.u32 v3, $0x3  }
0x219: {  	v4 =	vmul.u32 $0x30, v57  }
0x21a: {  	v3 =	vand.u32 $0x7, v3  }
0x21b: {  	v3 =	vor.u32 v3, v4  }
0x21c: {  	v4 =	vperm.xlane v3, v0;
	_ =	sdelay $0x1  }
0x21d: {  	v4 =	vadd.s32 v1, v4;
	_ =	sdelay $0x3  }
0x21e: {  	s20 =	simm.s32 $0x3200;
	v3 =	vperm.xlane v3, v2  }
0x21f: {  	[tilespmem:s20], [sflag:$0x1] =	stream.indirect_vreg.gather [hbm4b:s2+s3], $0x80, v4, vm0, $0xb8;
	[tilespmem:$0x18200] =	vst v63  }
0x220: {  	s21 =	simm.s32 $0x3A00;
	v3 =	vadd.s32 v1, v3  }
0x221: {  	[tilespmem:s21], [sflag:$0x1] =	stream.indirect_vreg.gather [hbm4b:s5+s3], $0x80, v4, vm0, $0xb8;
	[tilespmem:$0x18200] =	vst v63  }
0x222: {  	s22 =	simm.s32 $0x4200  }
0x223: {  	[tilespmem:s22], [sflag:$0x1] =	stream.indirect_vreg.gather [hbm4b:s6+s3], $0x80, v4, vm0, $0xb8;
	[tilespmem:$0x18200] =	vst v63  }
0x224: {  	s23 =	simm.s32 $0x4A00  }
0x225: {  	[tilespmem:s23], [sflag:$0x1] =	stream.indirect_vreg.gather [hbm4b:s2+s3], $0x80, v3, vm0, $0xb8;
	[tilespmem:$0x18200] =	vst v63  }
0x226: {  	s24 =	simm.s32 $0x5200  }
0x227: {  	[tilespmem:s24], [sflag:$0x1] =	stream.indirect_vreg.gather [hbm4b:s5+s3], $0x80, v3, vm0, $0xb8;
	[tilespmem:$0x18200] =	vst v63  }
0x228: {  	s22 =	simm.s32 $0x5A00  }
0x229: {  	[tilespmem:s22], [sflag:$0x1] =	stream.indirect_vreg.gather [hbm4b:s6+s3], $0x80, v3, vm0, $0xb8;
	[tilespmem:$0x18200] =	vst v63  }
0x22a: {  	v3 =	vld [tilespmem:$0x1A0];
	_ =	sdelay $0x4  }
0x22b: {  	v58 =	vshrl.u32 v3, $0x3  }
0x22c: {  	v4 =	vmul.u32 $0x30, v58  }
0x22d: {  	v3 =	vand.u32 $0x7, v3  }
0x22e: {  	v3 =	vor.u32 v3, v4  }
0x22f: {  	v4 =	vperm.xlane v3, v0;
	_ =	sdelay $0x1  }
0x230: {  	v4 =	vadd.s32 v1, v4;
	_ =	sdelay $0x3  }
0x231: {  	s23 =	simm.s32 $0x6200;
	v3 =	vperm.xlane v3, v2  }
0x232: {  	[tilespmem:s23], [sflag:$0x1] =	stream.indirect_vreg.gather [hbm4b:s2+s3], $0x80, v4, vm0, $0xb8;
	[tilespmem:$0x18200] =	vst v63  }
0x233: {  	s25 =	simm.s32 $0x6A00;
	v3 =	vadd.s32 v1, v3  }
0x234: {  	[tilespmem:s25], [sflag:$0x1] =	stream.indirect_vreg.gather [hbm4b:s5+s3], $0x80, v4, vm0, $0xb8;
	[tilespmem:$0x18200] =	vst v63  }
0x235: {  	s26 =	simm.s32 $0x7200  }
0x236: {  	[tilespmem:s26], [sflag:$0x1] =	stream.indirect_vreg.gather [hbm4b:s6+s3], $0x80, v4, vm0, $0xb8;
	[tilespmem:$0x18200] =	vst v63  }
0x237: {  	s28 =	simm.s32 $0x7A00  }
0x238: {  	[tilespmem:s28], [sflag:$0x1] =	stream.indirect_vreg.gather [hbm4b:s2+s3], $0x80, v3, vm0, $0xb8;
	[tilespmem:$0x18200] =	vst v63  }
0x239: {  	s29 =	simm.s32 $0x8200  }
0x23a: {  	[tilespmem:s29], [sflag:$0x1] =	stream.indirect_vreg.gather [hbm4b:s5+s3], $0x80, v3, vm0, $0xb8;
	[tilespmem:$0x18200] =	vst v63  }
0x23b: {  	s24 =	simm.s32 $0x8A00  }
0x23c: {  	[tilespmem:s24], [sflag:$0x1] =	stream.indirect_vreg.gather [hbm4b:s6+s3], $0x80, v3, vm0, $0xb8;
	[tilespmem:$0x18200] =	vst v63  }
0x23d: {  	v3 =	vld [tilespmem:$0x1B0];
	_ =	sdelay $0x4  }
0x23e: {  	v59 =	vshrl.u32 v3, $0x3  }
0x23f: {  	v4 =	vmul.u32 $0x30, v59  }
0x240: {  	v3 =	vand.u32 $0x7, v3  }
0x241: {  	v3 =	vor.u32 v3, v4  }
0x242: {  	v4 =	vperm.xlane v3, v0;
	_ =	sdelay $0x1  }
0x243: {  	v4 =	vadd.s32 v1, v4;
	_ =	sdelay $0x3  }
0x244: {  	s17 =	simm.s32 $0x9200;
	v3 =	vperm.xlane v3, v2  }
0x245: {  	[tilespmem:s17], [sflag:$0x1] =	stream.indirect_vreg.gather [hbm4b:s2+s3], $0x80, v4, vm0, $0xb8;
	[tilespmem:$0x18200] =	vst v63  }
0x246: {  	s30 =	simm.s32 $0x9A00;
	v3 =	vadd.s32 v1, v3  }
0x247: {  	[tilespmem:s30], [sflag:$0x1] =	stream.indirect_vreg.gather [hbm4b:s5+s3], $0x80, v4, vm0, $0xb8;
	[tilespmem:$0x18200] =	vst v63  }
0x248: {  	s14 =	simm.s32 $0xA200  }
0x249: {  	[tilespmem:s14], [sflag:$0x1] =	stream.indirect_vreg.gather [hbm4b:s6+s3], $0x80, v4, vm0, $0xb8;
	[tilespmem:$0x18200] =	vst v63  }
0x24a: {  	s15 =	simm.s32 $0xAA00  }
0x24b: {  	[tilespmem:s15], [sflag:$0x1] =	stream.indirect_vreg.gather [hbm4b:s2+s3], $0x80, v3, vm0, $0xb8;
	[tilespmem:$0x18200] =	vst v63  }
0x24c: {  	s16 =	simm.s32 $0xB200  }
0x24d: {  	[tilespmem:s16], [sflag:$0x1] =	stream.indirect_vreg.gather [hbm4b:s5+s3], $0x80, v3, vm0, $0xb8;
	[tilespmem:$0x18200] =	vst v63  }
0x24e: {  	s25 =	simm.s32 $0xBA00  }
0x24f: {  	[tilespmem:s25], [sflag:$0x1] =	stream.indirect_vreg.gather [hbm4b:s6+s3], $0x80, v3, vm0, $0xb8;
	[tilespmem:$0x18200] =	vst v63  }
0x250: {  	_ =	swait.ge [sflag:s10], $0xC000  }
0x251: {  	[sflag:s10] =	ssyncset.done $0x0  }
0x252: {  	s26 =	rddreg [dreg:$0x9];
	[sflag:s10] =	ssyncadd.s32 $0xFFFF4000  }
0x253: {  	[hbm4b:s26+s3] =	stream.linear.scatter [tilespmem:s18], [sflag:$0x4], $0xC000, $0x38;
	[tilespmem:$0x18200] =	vst v63  }
0x254: {  	_ =	swait.ge [sflag:s11], $0xC000  }
0x255: {  	[sflag:s11] =	ssyncset.done $0x0  }
0x256: {  	[sflag:s11] =	ssyncadd.s32 $0xFFFF4000  }
0x257: {  	v3 =	vld [tilespmem:$0x1C0];
	_ =	sdelay $0x4  }
0x258: {  	v60 =	vshrl.u32 v3, $0x3  }
0x259: {  	v4 =	vmul.u32 $0x30, v60  }
0x25a: {  	v3 =	vand.u32 $0x7, v3  }
0x25b: {  	v3 =	vor.u32 v3, v4  }
0x25c: {  	v4 =	vperm.xlane v3, v0;
	_ =	sdelay $0x1  }
0x25d: {  	v4 =	vadd.s32 v1, v4;
	_ =	sdelay $0x3  }
0x25e: {  	v3 =	vperm.xlane v3, v2  }
0x25f: {  	[tilespmem:s18], [sflag:$0x2] =	stream.indirect_vreg.gather [hbm4b:s2+s3], $0x80, v4, vm0, $0xb8;
	[tilespmem:$0x18200] =	vst v63  }
0x260: {  	s31 =	simm.s32 $0xCA00;
	v3 =	vadd.s32 v1, v3  }
0x261: {  	[tilespmem:s31], [sflag:$0x2] =	stream.indirect_vreg.gather [hbm4b:s5+s3], $0x80, v4, vm0, $0xb8;
	[tilespmem:$0x18200] =	vst v63  }
0x262: {  	s19 =	simm.s32 $0xD200  }
0x263: {  	[tilespmem:s19], [sflag:$0x2] =	stream.indirect_vreg.gather [hbm4b:s6+s3], $0x80, v4, vm0, $0xb8;
	[tilespmem:$0x18200] =	vst v63  }
0x264: {  	s28 =	simm.s32 $0xDA00  }
0x265: {  	[tilespmem:s28], [sflag:$0x2] =	stream.indirect_vreg.gather [hbm4b:s2+s3], $0x80, v3, vm0, $0xb8;
	[tilespmem:$0x18200] =	vst v63  }
0x266: {  	s29 =	simm.s32 $0xE200  }
0x267: {  	[tilespmem:s29], [sflag:$0x2] =	stream.indirect_vreg.gather [hbm4b:s5+s3], $0x80, v3, vm0, $0xb8;
	[tilespmem:$0x18200] =	vst v63  }
0x268: {  	s30 =	simm.s32 $0xEA00  }
0x269: {  	[tilespmem:s30], [sflag:$0x2] =	stream.indirect_vreg.gather [hbm4b:s6+s3], $0x80, v3, vm0, $0xb8;
	[tilespmem:$0x18200] =	vst v63  }
0x26a: {  	v3 =	vld [tilespmem:$0x1D0];
	_ =	sdelay $0x4  }
0x26b: {  	v61 =	vshrl.u32 v3, $0x3  }
0x26c: {  	v4 =	vmul.u32 $0x30, v61  }
0x26d: {  	v3 =	vand.u32 $0x7, v3  }
0x26e: {  	v3 =	vor.u32 v3, v4  }
0x26f: {  	v4 =	vperm.xlane v3, v0;
	_ =	sdelay $0x1  }
0x270: {  	v4 =	vadd.s32 v1, v4;
	_ =	sdelay $0x3  }
0x271: {  	s31 =	simm.s32 $0xF200;
	v3 =	vperm.xlane v3, v2  }
0x272: {  	[tilespmem:s31], [sflag:$0x2] =	stream.indirect_vreg.gather [hbm4b:s2+s3], $0x80, v4, vm0, $0xb8;
	[tilespmem:$0x18200] =	vst v63  }
0x273: {  	s4 =	simm.s32 $0xFA00;
	v3 =	vadd.s32 v1, v3  }
0x274: {  	[tilespmem:s4], [sflag:$0x2] =	stream.indirect_vreg.gather [hbm4b:s5+s3], $0x80, v4, vm0, $0xb8;
	[tilespmem:$0x18200] =	vst v63  }
0x275: {  	s12 =	simm.s32 $0x10200  }
0x276: {  	[tilespmem:s12], [sflag:$0x2] =	stream.indirect_vreg.gather [hbm4b:s6+s3], $0x80, v4, vm0, $0xb8;
	[tilespmem:$0x18200] =	vst v63  }
0x277: {  	s13 =	simm.s32 $0x10A00  }
0x278: {  	[tilespmem:s13], [sflag:$0x2] =	stream.indirect_vreg.gather [hbm4b:s2+s3], $0x80, v3, vm0, $0xb8;
	[tilespmem:$0x18200] =	vst v63  }
0x279: {  	s14 =	simm.s32 $0x11200  }
0x27a: {  	[tilespmem:s14], [sflag:$0x2] =	stream.indirect_vreg.gather [hbm4b:s5+s3], $0x80, v3, vm0, $0xb8;
	[tilespmem:$0x18200] =	vst v63  }
0x27b: {  	s15 =	simm.s32 $0x11A00  }
0x27c: {  	[tilespmem:s15], [sflag:$0x2] =	stream.indirect_vreg.gather [hbm4b:s6+s3], $0x80, v3, vm0, $0xb8;
	[tilespmem:$0x18200] =	vst v63  }
0x27d: {  	v3 =	vld [tilespmem:$0x1E0];
	_ =	sdelay $0x4  }
0x27e: {  	v62 =	vshrl.u32 v3, $0x3  }
0x27f: {  	v4 =	vmul.u32 $0x30, v62  }
0x280: {  	v3 =	vand.u32 $0x7, v3  }
0x281: {  	v3 =	vor.u32 v3, v4  }
0x282: {  	v4 =	vperm.xlane v3, v0;
	_ =	sdelay $0x1  }
0x283: {  	v4 =	vadd.s32 v1, v4;
	_ =	sdelay $0x3  }
0x284: {  	s16 =	simm.s32 $0x12200;
	v3 =	vperm.xlane v3, v2  }
0x285: {  	[tilespmem:s16], [sflag:$0x2] =	stream.indirect_vreg.gather [hbm4b:s2+s3], $0x80, v4, vm0, $0xb8;
	[tilespmem:$0x18200] =	vst v63  }
0x286: {  	s17 =	simm.s32 $0x12A00;
	v3 =	vadd.s32 v1, v3  }
0x287: {  	[tilespmem:s17], [sflag:$0x2] =	stream.indirect_vreg.gather [hbm4b:s5+s3], $0x80, v4, vm0, $0xb8;
	[tilespmem:$0x18200] =	vst v63  }
0x288: {  	s19 =	simm.s32 $0x13200  }
0x289: {  	[tilespmem:s19], [sflag:$0x2] =	stream.indirect_vreg.gather [hbm4b:s6+s3], $0x80, v4, vm0, $0xb8;
	[tilespmem:$0x18200] =	vst v63  }
0x28a: {  	s20 =	simm.s32 $0x13A00  }
0x28b: {  	[tilespmem:s20], [sflag:$0x2] =	stream.indirect_vreg.gather [hbm4b:s2+s3], $0x80, v3, vm0, $0xb8;
	[tilespmem:$0x18200] =	vst v63  }
0x28c: {  	s21 =	simm.s32 $0x14200  }
0x28d: {  	[tilespmem:s21], [sflag:$0x2] =	stream.indirect_vreg.gather [hbm4b:s5+s3], $0x80, v3, vm0, $0xb8;
	[tilespmem:$0x18200] =	vst v63  }
0x28e: {  	s22 =	simm.s32 $0x14A00  }
0x28f: {  	[tilespmem:s22], [sflag:$0x2] =	stream.indirect_vreg.gather [hbm4b:s6+s3], $0x80, v3, vm0, $0xb8;
	[tilespmem:$0x18200] =	vst v63  }
0x290: {  	v3 =	vld [tilespmem:$0x1F0];
	_ =	sdelay $0x4  }
0x291: {  	v63 =	vshrl.u32 v3, $0x3  }
0x292: {  	v4 =	vmul.u32 $0x30, v63  }
0x293: {  	v3 =	vand.u32 $0x7, v3  }
0x294: {  	v3 =	vor.u32 v3, v4  }
0x295: {  	v4 =	vperm.xlane v3, v0;
	_ =	sdelay $0x1  }
0x296: {  	v4 =	vadd.s32 v1, v4;
	_ =	sdelay $0x3  }
0x297: {  	s23 =	simm.s32 $0x15200;
	v3 =	vperm.xlane v3, v2  }
0x298: {  	[tilespmem:s23], [sflag:$0x2] =	stream.indirect_vreg.gather [hbm4b:s2+s3], $0x80, v4, vm0, $0xb8;
	[tilespmem:$0x18200] =	vst v63  }
0x299: {  	s24 =	simm.s32 $0x15A00;
	v3 =	vadd.s32 v1, v3  }
0x29a: {  	[tilespmem:s24], [sflag:$0x2] =	stream.indirect_vreg.gather [hbm4b:s5+s3], $0x80, v4, vm0, $0xb8;
	[tilespmem:$0x18200] =	vst v63  }
0x29b: {  	s25 =	simm.s32 $0x16200  }
0x29c: {  	[tilespmem:s25], [sflag:$0x2] =	stream.indirect_vreg.gather [hbm4b:s6+s3], $0x80, v4, vm0, $0xb8;
	[tilespmem:$0x18200] =	vst v63  }
0x29d: {  	s26 =	simm.s32 $0x16A00  }
0x29e: {  	[tilespmem:s26], [sflag:$0x2] =	stream.indirect_vreg.gather [hbm4b:s2+s3], $0x80, v3, vm0, $0xb8;
	[tilespmem:$0x18200] =	vst v63  }
0x29f: {  	s28 =	simm.s32 $0x17200  }
0x2a0: {  	[tilespmem:s28], [sflag:$0x2] =	stream.indirect_vreg.gather [hbm4b:s5+s3], $0x80, v3, vm0, $0xb8;
	[tilespmem:$0x18200] =	vst v63  }
0x2a1: {  	s29 =	simm.s32 $0x17A00  }
0x2a2: {  	[tilespmem:s29], [sflag:$0x2] =	stream.indirect_vreg.gather [hbm4b:s6+s3], $0x80, v3, vm0, $0xb8;
	[tilespmem:$0x18200] =	vst v63  }
0x2a3: {  	_ =	swait.ge [sflag:s0], $0xC000  }
0x2a4: {  	[sflag:s0] =	ssyncset.done $0x0  }
0x2a5: {  	s30 =	rddreg [dreg:$0xa];
	[sflag:s0] =	ssyncadd.s32 $0xFFFF4000  }
0x2a6: {  	[hbm4b:s30+s3] =	stream.linear.scatter [tilespmem:s8], [sflag:$0x3], $0xC000, $0x38;
	[tilespmem:$0x18200] =	vst v63  }
0x2a7: {  	_ =	swait.ge [sflag:s10], $0xC000  }
0x2a8: {  	[sflag:s10] =	ssyncset.done $0x0  }
0x2a9: {  	s31 =	rddreg [dreg:$0xb];
	[sflag:s10] =	ssyncadd.s32 $0xFFFF4000  }
0x2aa: {  	[hbm4b:s31+s3] =	stream.linear.scatter [tilespmem:s18], [sflag:$0x4], $0xC000, $0x38;
	[tilespmem:$0x18200] =	vst v63  }
0x2ab: {  	p0 =	sne.s32 s7, $0x1;
	_ =	swait.ge [sflag:s11], $0xC000  }
.Ltmp0:
0x2ac: {  	[sflag:s11] =	ssyncset.done $0x0;
	(pc) =	sbr.rel @p0 .LBB2_1-.Ltmp0, $4  }
0x2ad: {  	[sflag:s11] =	ssyncadd.s32 $0xFFFF4000  }
0x2ae: {  	_ =	swait.ge [sflag:s9], $0xC000  }
0x2af: {  	[sflag:s9] =	ssyncset.done $0x0  }
0x2b0: {  	s7 =	sadd.s32 $0xFFFFFFFF, s7;
	[sflag:s9] =	ssyncadd.s32 $0xFFFF4000  }
0x2b1: {  	_ =	sfence.sel $0x180000  }
0x2b2: {  	[bflag:$0x0] =	sbarrier.arrive $0xFFFF  }
0x2b3: {  	_ =	strace $0x90000047  }
0x2b4: {  	s0 =	stileid.u32;
	[bflag:$0x2] =	sbarrier.arrive $0xFFFF  }
0x2b5: {  	p0 =	sne.s32 s0, $0x0;
	s0 =	rddreg [dreg:$0x3]  }
0x2b6: {  	s0 =	sadd.s32 @!p0 $0x100000, s0  }
0x2b7: {  	[sflag:s0] =	ssyncadd.tile.s32 @!p0 $0x1;
	_ =	shalt  }
.Lfunc_end2:
_tile_overlayer_lowered:
.L_overlay_start_2:
0x2b8: {  	(tag) =	ssettag $0x2  }
0x2b9: {  	s0 =	rddreg [dreg:$0x0];
	s2 =	stileid.u32  }
0x2ba: {  	s1 =	rddreg [dreg:$0x1];
	p0 =	sne.s32 s2, $0x0  }
0x2bb: {  	s3 =	rddreg [dreg:$0x2];
	[bflag:$0x3] =	sbarrier.arrive $0xFFFF;
	s2 =	simm.s32 @!p0 $0x1C05  }
0x2bc: {  	[timem:s3], [sflag:s2] =	dma.local @!p0 [hbm:s0], s1  }
0x2bd: {  	s0 =	simm.s32 @!p0 $0x5  }
0x2be: {  	_ =	swait.ge @!p0 [sflag:s0], s1  }
0x2bf: {  	s1 =	ssub.s32 @!p0 $0x0, s1;
	[sflag:s0] =	ssyncset.done @!p0 $0x0  }
0x2c0: {  	[sflag:s0] =	ssyncadd.s32 @!p0 s1  }
0x2c1: {  	[bflag:$0x3] =	sbarrier.arrive $0xFFFF  }
0x2c2: {  	_ =	shalt  }

</sc_bundles>
